<compile_context>
chip_gen: v7x
topology: tpu7x:2x2x1
jax: 0.10.2.dev20260603
libtpu: 0.0.44.dev20260713+nightly
codegen_flags: <defaults>
</compile_context>

<pallas_src>
import functools

import jax
import jax.numpy as jnp
from jax import lax
from jax.experimental import pallas as pl
from jax.experimental.pallas import tpu as pltpu
from jax.experimental.pallas import tpu_sc as plsc

N = 10000
E = 320000
D = 128
NCLS = 40

N_PAD = 10240
D2 = 64
NW = 32
CHUNK = 128
CHUNKS = 80
E_PAD = NW * CHUNKS * CHUNK
RPT = N_PAD // 16
BLK = 1024


def _mesh():
    return plsc.VectorSubcoreMesh(core_axis_name="c", subcore_axis_name="s",
                                  num_cores=2, num_subcores=16)


def _make_agg(d):
    @functools.partial(
        pl.kernel,
        out_type=jax.ShapeDtypeStruct((2, N_PAD, d), jnp.float32),
        mesh=_mesh(),
        compiler_params=pltpu.CompilerParams(
            use_tc_tiling_on_sc=(d % 128 == 0)),
        scratch_types=[
            pltpu.VMEM((CHUNKS, CHUNK), jnp.int32),
            pltpu.VMEM((CHUNKS, CHUNK), jnp.int32),
            pltpu.VMEM((CHUNK, d), jnp.float32),
            pltpu.VMEM_SHARED((N_PAD, d), jnp.float32),
            pltpu.SemaphoreType.DMA,
        ],
    )
    def agg(y_hbm, src_hbm, dst_hbm, zeros_hbm, out_hbm,
            src_v, dst_v, rows_v, acc, sem):
        cid = lax.axis_index("c")
        sid = lax.axis_index("s")
        wid = sid * 2 + cid
        pltpu.sync_copy(src_hbm.at[pl.ds(wid * CHUNKS, CHUNKS)], src_v)
        pltpu.sync_copy(dst_hbm.at[pl.ds(wid * CHUNKS, CHUNKS)], dst_v)
        pltpu.sync_copy(zeros_hbm, acc.at[pl.ds(sid * RPT, RPT)])
        plsc.subcore_barrier()

        def body(j, carry):
            pltpu.async_copy(y_hbm.at[src_v.at[j]], rows_v, sem).wait()
            pltpu.sync_copy(rows_v, acc.at[dst_v.at[j]], add=True)
            return carry

        lax.fori_loop(0, CHUNKS, body, 0)
        plsc.subcore_barrier()
        pltpu.sync_copy(acc.at[pl.ds(sid * RPT, RPT)],
                        out_hbm.at[cid].at[pl.ds(sid * RPT, RPT)])

    return agg


_agg128 = _make_agg(D)
_agg64 = _make_agg(D2)


@functools.partial(
    pl.kernel,
    out_type=jax.ShapeDtypeStruct((2, 2, N_PAD, 16), jnp.float32),
    mesh=_mesh(),
    compiler_params=pltpu.CompilerParams(use_tc_tiling_on_sc=False),
    scratch_types=[
        pltpu.VMEM((CHUNKS, CHUNK), jnp.int32),
        pltpu.VMEM((CHUNKS, CHUNK), jnp.int32),
        pltpu.VMEM((CHUNK, 16), jnp.float32),
        pltpu.VMEM_SHARED((N_PAD, 16), jnp.float32),
        pltpu.VMEM_SHARED((N_PAD, 16), jnp.float32),
    ],
)
def _degrees(src_hbm, dst_hbm, ones_hbm, zeros_hbm, out_hbm,
             src_v, dst_v, ones_v, dego, degi):
    cid = lax.axis_index("c")
    sid = lax.axis_index("s")
    wid = sid * 2 + cid
    pltpu.sync_copy(src_hbm.at[pl.ds(wid * CHUNKS, CHUNKS)], src_v)
    pltpu.sync_copy(dst_hbm.at[pl.ds(wid * CHUNKS, CHUNKS)], dst_v)
    pltpu.sync_copy(ones_hbm, ones_v)
    pltpu.sync_copy(zeros_hbm, dego.at[pl.ds(sid * RPT, RPT)])
    pltpu.sync_copy(zeros_hbm, degi.at[pl.ds(sid * RPT, RPT)])
    plsc.subcore_barrier()

    def body(j, carry):
        pltpu.sync_copy(ones_v, dego.at[src_v.at[j]], add=True)
        pltpu.sync_copy(ones_v, degi.at[dst_v.at[j]], add=True)
        return carry

    lax.fori_loop(0, CHUNKS, body, 0)
    plsc.subcore_barrier()
    pltpu.sync_copy(dego.at[pl.ds(sid * RPT, RPT)],
                    out_hbm.at[cid].at[0].at[pl.ds(sid * RPT, RPT)])
    pltpu.sync_copy(degi.at[pl.ds(sid * RPT, RPT)],
                    out_hbm.at[cid].at[1].at[pl.ds(sid * RPT, RPT)])


def _norm(a_ref, b_ref):
    deg = a_ref[:, 0:1] + b_ref[:, 0:1]
    return lax.rsqrt(jnp.maximum(deg, 1.0))


def _first_pre_body(x_ref, do0, do1, w_ref, o_ref):
    ns = _norm(do0, do1)
    o_ref[...] = jnp.dot(x_ref[...] * ns, w_ref[...],
                         preferred_element_type=jnp.float32)


def _mid_pre_body(p0, p1, do0, do1, di0, di1, b_ref, w_ref, o_ref):
    nd = _norm(di0, di1)
    h = jnp.maximum((p0[...] + p1[...]) * nd + b_ref[...], 0.0)
    ns = _norm(do0, do1)
    o_ref[...] = jnp.dot(h * ns, w_ref[...],
                         preferred_element_type=jnp.float32)


def _final_body(p0, p1, di0, di1, b_ref, o_ref):
    nd = _norm(di0, di1)
    o_ref[...] = (p0[...] + p1[...]) * nd + b_ref[...]


def _row_spec(w):
    return pl.BlockSpec((BLK, w), lambda i: (i, 0))


def _full_spec(h, w):
    return pl.BlockSpec((h, w), lambda i: (0, 0))


_GRID = N_PAD // BLK


def _first_pre(x, do0, do1, w):
    return pl.pallas_call(
        _first_pre_body,
        grid=(_GRID,),
        in_specs=[_row_spec(D), _row_spec(16), _row_spec(16),
                  _full_spec(D, D)],
        out_specs=_row_spec(D),
        out_shape=jax.ShapeDtypeStruct((N_PAD, D), jnp.float32),
    )(x, do0, do1, w)


def _mid_pre(p0, p1, do0, do1, di0, di1, b, w, dout):
    return pl.pallas_call(
        _mid_pre_body,
        grid=(_GRID,),
        in_specs=[_row_spec(D), _row_spec(D), _row_spec(16), _row_spec(16),
                  _row_spec(16), _row_spec(16), _full_spec(1, D),
                  _full_spec(D, dout)],
        out_specs=_row_spec(dout),
        out_shape=jax.ShapeDtypeStruct((N_PAD, dout), jnp.float32),
    )(p0, p1, do0, do1, di0, di1, b, w)


def _final(p0, p1, di0, di1, b):
    return pl.pallas_call(
        _final_body,
        grid=(_GRID,),
        in_specs=[_row_spec(D2), _row_spec(D2), _row_spec(16), _row_spec(16),
                  _full_spec(1, D2)],
        out_specs=_row_spec(D2),
        out_shape=jax.ShapeDtypeStruct((N_PAD, D2), jnp.float32),
    )(p0, p1, di0, di1, b)


def kernel(features, edge_index, W0, b0, W1, b1, W2, b2):
    pad = jnp.full((E_PAD - E,), N, dtype=jnp.int32)
    src = jnp.concatenate([edge_index[0], pad]).reshape(E_PAD // CHUNK, CHUNK)
    dst = jnp.concatenate([edge_index[1], pad]).reshape(E_PAD // CHUNK, CHUNK)

    x = jnp.pad(features, ((0, N_PAD - N), (0, 0)))
    w2 = jnp.pad(W2, ((0, 0), (0, D2 - NCLS)))
    b0r = b0.reshape(1, D)
    b1r = b1.reshape(1, D)
    b2r = jnp.pad(b2, (0, D2 - NCLS)).reshape(1, D2)

    ones16 = jnp.ones((CHUNK, 16), jnp.float32)
    z16 = jnp.zeros((RPT, 16), jnp.float32)
    z128 = jnp.zeros((RPT, D), jnp.float32)
    z64 = jnp.zeros((RPT, D2), jnp.float32)

    deg = _degrees(src, dst, ones16, z16)
    do0, do1 = deg[0, 0], deg[1, 0]
    di0, di1 = deg[0, 1], deg[1, 1]

    y0 = _first_pre(x, do0, do1, W0)
    p = _agg128(y0, src, dst, z128)
    y1 = _mid_pre(p[0], p[1], do0, do1, di0, di1, b0r, W1, D)
    p = _agg128(y1, src, dst, z128)
    y2 = _mid_pre(p[0], p[1], do0, do1, di0, di1, b1r, w2, D2)
    p = _agg64(y2, src, dst, z64)
    out = _final(p[0], p[1], di0, di1, b2r)
    return out[:N, :NCLS]

# --- scband reference (transcript-rebuilt; emitter-appended) ---
"""Pipeline reference for scband-net-68143951118849 (READ-ONLY COPY).

The authoritative reference and input builder live on the scoring server;
editing this copy changes nothing except your own understanding.
"""

import jax, jax.numpy as jnp
import numpy as np

N = 10000
E = 320000
D_IN = 128
D_H = 128
N_CLS = 40


def setup_inputs(seed: int = 0) -> dict:
    key = jax.random.key(seed)
    ks = jax.random.split(key, 9)
    features = jax.random.normal(ks[0], (N, D_IN), dtype=jnp.float32)
    edge_index = jax.random.randint(ks[1], (2, E), 0, N, dtype=jnp.int32)
    # GraphConv weights (glorot-ish init)
    W0 = jax.random.normal(ks[2], (D_IN, D_H), dtype=jnp.float32) / np.sqrt(D_IN)
    b0 = jnp.zeros((D_H,), dtype=jnp.float32)
    W1 = jax.random.normal(ks[3], (D_H, D_H), dtype=jnp.float32) / np.sqrt(D_H)
    b1 = jnp.zeros((D_H,), dtype=jnp.float32)
    W2 = jax.random.normal(ks[4], (D_H, N_CLS), dtype=jnp.float32) / np.sqrt(D_H)
    b2 = jnp.zeros((N_CLS,), dtype=jnp.float32)
    return {"features": features, "edge_index": edge_index,
            "W0": W0, "b0": b0, "W1": W1, "b1": b1, "W2": W2, "b2": b2}


def _graph_conv(x, src, dst, W, b):
    # DGL GraphConv with norm='both':
    # h = D_out^{-1/2} applied to src feats, sum-aggregate, D_in^{-1/2} on dst, then linear
    ones = jnp.ones((src.shape[0],), dtype=x.dtype)
    deg_out = jax.ops.segment_sum(ones, src, num_segments=N)
    deg_in = jax.ops.segment_sum(ones, dst, num_segments=N)
    norm_src = jax.lax.rsqrt(jnp.maximum(deg_out, 1.0))
    norm_dst = jax.lax.rsqrt(jnp.maximum(deg_in, 1.0))
    h = x * norm_src[:, None]
    msg = jnp.take(h, src, axis=0)
    agg = jax.ops.segment_sum(msg, dst, num_segments=N)
    agg = agg * norm_dst[:, None]
    return agg @ W + b


def reference(features, edge_index, W0, b0, W1, b1, W2, b2):
    # Net.forward(features, bns=False) in eval mode (dropout = identity)
    src = edge_index[0]
    dst = edge_index[1]
    h = features
    h = _graph_conv(h, src, dst, W0, b0)
    h = jax.nn.relu(h)
    h = _graph_conv(h, src, dst, W1, b1)
    h = jax.nn.relu(h)
    out = _graph_conv(h, src, dst, W2, b2)
    return out

if __name__ == "__main__":
    import jax
    _d = setup_inputs()
    print(jax.jit(kernel)(*tuple(_d.values())))

</pallas_src>

<mosaic_0001>
#map = affine_map<(d0, d1) -> (0, 0)>
#map1 = affine_map<(d0, d1) -> (0, 0, 0)>
module attributes {stable_mosaic.version = 14 : i64} {
  func.func @agg(%arg0: i32, %arg1: i32, %arg2: memref<10240x64xf32, #tpu.memory_space<hbm>>, %arg3: memref<2560x128xi32, #tpu.memory_space<hbm>>, %arg4: memref<2560x128xi32, #tpu.memory_space<hbm>>, %arg5: memref<640x64xf32, #tpu.memory_space<hbm>>, %arg6: memref<2x10240x64xf32, #tpu.memory_space<hbm>>, %arg7: memref<80x128xi32, #tpu.memory_space<vmem>>, %arg8: memref<80x128xi32, #tpu.memory_space<vmem>>, %arg9: memref<128x64xf32, #tpu.memory_space<vmem>>, %arg10: memref<10240x64xf32, #tpu.memory_space<vmem_shared>>, %arg11: memref<!tpu.dma_semaphore, #tpu.memory_space<semaphore_mem>>) attributes {dimension_semantics = [#tpu.dimension_semantics<core_parallel>, #tpu.dimension_semantics<subcore_parallel>], iteration_bounds = array<i64: 2, 16>, scalar_prefetch = 0 : i64, scratch_operands = 5 : i64, tpu.core_type = #tpu.core_type<sc_vector_subcore>, window_params = [{transform_indices = #map}, {transform_indices = #map}, {transform_indices = #map}, {transform_indices = #map}, {transform_indices = #map1}]} {
    %mul3A = arith.constant 2 : i32
    %mul3A_0 = arith.muli %arg1, %mul3A : i32
    %add3A = arith.addi %mul3A_0, %arg0 : i32
    %mul3A_1 = arith.constant 80 : i32
    %mul3A_2 = arith.muli %add3A, %mul3A_1 : i32
    "tpu.region"() ({
      %run_scoped3A = tpu.sem_alloc : memref<!tpu.dma_semaphore, #tpu.memory_space<semaphore_mem>>
      %dma_start3A = arith.constant 0 : i32
      %dma_start3A_17 = tpu.memref_slice %arg3[%mul3A_2, %dma_start3A] : memref<2560x128xi32, #tpu.memory_space<hbm>> -> memref<80x128xi32, #tpu.memory_space<hbm>>
      %dma_start3A_18 = arith.constant 0 : i32
      %dma_start3A_19 = tpu.memref_slice %arg3[%mul3A_2, %dma_start3A_18] : memref<2560x128xi32, #tpu.memory_space<hbm>> -> memref<80x128xi32, #tpu.memory_space<hbm>>
      tpu.enqueue_dma source(%dma_start3A_19 : memref<80x128xi32, #tpu.memory_space<hbm>>) target(%arg7 : memref<80x128xi32, #tpu.memory_space<vmem>>) target_semaphore(%run_scoped3A : memref<!tpu.dma_semaphore, #tpu.memory_space<semaphore_mem>>)
      %dma_wait3A = arith.constant 0 : i32
      %dma_wait3A_20 = tpu.memref_slice %arg3[%mul3A_2, %dma_wait3A] : memref<2560x128xi32, #tpu.memory_space<hbm>> -> memref<80x128xi32, #tpu.memory_space<hbm>>
      %dma_wait3A_21 = arith.constant 0 : i32
      %dma_wait3A_22 = tpu.memref_slice %arg3[%mul3A_2, %dma_wait3A_21] : memref<2560x128xi32, #tpu.memory_space<hbm>> -> memref<80x128xi32, #tpu.memory_space<hbm>>
      tpu.wait_dma2 semaphore(%run_scoped3A : memref<!tpu.dma_semaphore, #tpu.memory_space<semaphore_mem>>) src(%dma_wait3A_22 : memref<80x128xi32, #tpu.memory_space<hbm>>) dst(%arg7 : memref<80x128xi32, #tpu.memory_space<vmem>>)
      tpu.yield
    }) : () -> ()
    %mul3A_3 = arith.constant 80 : i32
    %mul3A_4 = arith.muli %add3A, %mul3A_3 : i32
    "tpu.region"() ({
      %run_scoped3A = tpu.sem_alloc : memref<!tpu.dma_semaphore, #tpu.memory_space<semaphore_mem>>
      %dma_start3A = arith.constant 0 : i32
      %dma_start3A_17 = tpu.memref_slice %arg4[%mul3A_4, %dma_start3A] : memref<2560x128xi32, #tpu.memory_space<hbm>> -> memref<80x128xi32, #tpu.memory_space<hbm>>
      %dma_start3A_18 = arith.constant 0 : i32
      %dma_start3A_19 = tpu.memref_slice %arg4[%mul3A_4, %dma_start3A_18] : memref<2560x128xi32, #tpu.memory_space<hbm>> -> memref<80x128xi32, #tpu.memory_space<hbm>>
      tpu.enqueue_dma source(%dma_start3A_19 : memref<80x128xi32, #tpu.memory_space<hbm>>) target(%arg8 : memref<80x128xi32, #tpu.memory_space<vmem>>) target_semaphore(%run_scoped3A : memref<!tpu.dma_semaphore, #tpu.memory_space<semaphore_mem>>)
      %dma_wait3A = arith.constant 0 : i32
      %dma_wait3A_20 = tpu.memref_slice %arg4[%mul3A_4, %dma_wait3A] : memref<2560x128xi32, #tpu.memory_space<hbm>> -> memref<80x128xi32, #tpu.memory_space<hbm>>
      %dma_wait3A_21 = arith.constant 0 : i32
      %dma_wait3A_22 = tpu.memref_slice %arg4[%mul3A_4, %dma_wait3A_21] : memref<2560x128xi32, #tpu.memory_space<hbm>> -> memref<80x128xi32, #tpu.memory_space<hbm>>
      tpu.wait_dma2 semaphore(%run_scoped3A : memref<!tpu.dma_semaphore, #tpu.memory_space<semaphore_mem>>) src(%dma_wait3A_22 : memref<80x128xi32, #tpu.memory_space<hbm>>) dst(%arg8 : memref<80x128xi32, #tpu.memory_space<vmem>>)
      tpu.yield
    }) : () -> ()
    %mul3A_5 = arith.constant 640 : i32
    %mul3A_6 = arith.muli %arg1, %mul3A_5 : i32
    "tpu.region"() ({
      %run_scoped3A = tpu.sem_alloc : memref<!tpu.dma_semaphore, #tpu.memory_space<semaphore_mem>>
      %dma_start3A = arith.constant 0 : i32
      %dma_start3A_17 = tpu.memref_slice %arg10[%mul3A_6, %dma_start3A] : memref<10240x64xf32, #tpu.memory_space<vmem_shared>> -> memref<640x64xf32, #tpu.memory_space<vmem_shared>>
      tpu.enqueue_dma source(%arg5 : memref<640x64xf32, #tpu.memory_space<hbm>>) target(%dma_start3A_17 : memref<640x64xf32, #tpu.memory_space<vmem_shared>>) target_semaphore(%run_scoped3A : memref<!tpu.dma_semaphore, #tpu.memory_space<semaphore_mem>>)
      %dma_wait3A = arith.constant 0 : i32
      %dma_wait3A_18 = tpu.memref_slice %arg10[%mul3A_6, %dma_wait3A] : memref<10240x64xf32, #tpu.memory_space<vmem_shared>> -> memref<640x64xf32, #tpu.memory_space<vmem_shared>>
      tpu.wait_dma2 semaphore(%run_scoped3A : memref<!tpu.dma_semaphore, #tpu.memory_space<semaphore_mem>>) src(%arg5 : memref<640x64xf32, #tpu.memory_space<hbm>>) dst(%dma_wait3A_18 : memref<640x64xf32, #tpu.memory_space<vmem_shared>>)
      tpu.yield
    }) : () -> ()
    %barrier3A = arith.constant 0 : index
    tpu.barrier barrier_id(%barrier3A)
    %scan3A = arith.constant 0 : i32
    %scan3A_7 = arith.constant 0 : i32
    %scan3A_8 = arith.constant 80 : i32
    %scan3A_9 = arith.addi %scan3A_7, %scan3A_8 : i32
    %scan3A_10 = arith.constant 1 : i32
    scf.for %scan3A_17 = %scan3A_7 to %scan3A_9 step %scan3A_10  : i32 {
      %dma_start3A = arith.constant 0 : i32
      %dma_start3A_18 = tpu.memref_slice %arg7[%scan3A_17, %dma_start3A] : memref<80x128xi32, #tpu.memory_space<vmem>> -> memref<1x128xi32, #tpu.memory_space<vmem>>
      %dma_start3A_19 = tpu.memref_squeeze %dma_start3A_18 : memref<1x128xi32, #tpu.memory_space<vmem>> -> memref<128xi32, #tpu.memory_space<vmem>>
      %dma_start3A_20 = arith.constant 0 : i32
      %dma_start3A_21 = arith.constant 0 : i32
      %dma_start3A_22 = tpu.memref_slice %arg2[%dma_start3A_20, %dma_start3A_21] : memref<10240x64xf32, #tpu.memory_space<hbm>> -> memref<10240x64xf32, #tpu.memory_space<hbm>>
      tpu.enqueue_indirect_dma source(%dma_start3A_22 : memref<10240x64xf32, #tpu.memory_space<hbm>>) target(%arg9 : memref<128x64xf32, #tpu.memory_space<vmem>>) offsets(%dma_start3A_19 : memref<128xi32, #tpu.memory_space<vmem>>) semaphore(%arg11 : memref<!tpu.dma_semaphore, #tpu.memory_space<semaphore_mem>>)
      %dma_wait3A = arith.constant 0 : i32
      %dma_wait3A_23 = tpu.memref_slice %arg7[%scan3A_17, %dma_wait3A] : memref<80x128xi32, #tpu.memory_space<vmem>> -> memref<1x128xi32, #tpu.memory_space<vmem>>
      %dma_wait3A_24 = tpu.memref_squeeze %dma_wait3A_23 : memref<1x128xi32, #tpu.memory_space<vmem>> -> memref<128xi32, #tpu.memory_space<vmem>>
      %dma_wait3A_25 = arith.constant 0 : i32
      %dma_wait3A_26 = arith.constant 0 : i32
      %dma_wait3A_27 = tpu.memref_slice %arg2[%dma_wait3A_25, %dma_wait3A_26] : memref<10240x64xf32, #tpu.memory_space<hbm>> -> memref<10240x64xf32, #tpu.memory_space<hbm>>
      tpu.wait_indirect_dma semaphore(%arg11 : memref<!tpu.dma_semaphore, #tpu.memory_space<semaphore_mem>>) src(%dma_wait3A_27 : memref<10240x64xf32, #tpu.memory_space<hbm>>) dst(%arg9 : memref<128x64xf32, #tpu.memory_space<vmem>>)
      "tpu.region"() ({
        %run_scoped3A = tpu.sem_alloc : memref<!tpu.dma_semaphore, #tpu.memory_space<semaphore_mem>>
        %dma_start3A_28 = arith.constant 0 : i32
        %dma_start3A_29 = tpu.memref_slice %arg8[%scan3A_17, %dma_start3A_28] : memref<80x128xi32, #tpu.memory_space<vmem>> -> memref<1x128xi32, #tpu.memory_space<vmem>>
        %dma_start3A_30 = tpu.memref_squeeze %dma_start3A_29 : memref<1x128xi32, #tpu.memory_space<vmem>> -> memref<128xi32, #tpu.memory_space<vmem>>
        %dma_start3A_31 = arith.constant 0 : i32
        %dma_start3A_32 = arith.constant 0 : i32
        %dma_start3A_33 = tpu.memref_slice %arg10[%dma_start3A_31, %dma_start3A_32] : memref<10240x64xf32, #tpu.memory_space<vmem_shared>> -> memref<10240x64xf32, #tpu.memory_space<vmem_shared>>
        tpu.enqueue_indirect_dma source(%arg9 : memref<128x64xf32, #tpu.memory_space<vmem>>) target(%dma_start3A_33 : memref<10240x64xf32, #tpu.memory_space<vmem_shared>>) offsets(%dma_start3A_30 : memref<128xi32, #tpu.memory_space<vmem>>) semaphore(%run_scoped3A : memref<!tpu.dma_semaphore, #tpu.memory_space<semaphore_mem>>) {add = true}
        %dma_wait3A_34 = arith.constant 0 : i32
        %dma_wait3A_35 = tpu.memref_slice %arg8[%scan3A_17, %dma_wait3A_34] : memref<80x128xi32, #tpu.memory_space<vmem>> -> memref<1x128xi32, #tpu.memory_space<vmem>>
        %dma_wait3A_36 = tpu.memref_squeeze %dma_wait3A_35 : memref<1x128xi32, #tpu.memory_space<vmem>> -> memref<128xi32, #tpu.memory_space<vmem>>
        %dma_wait3A_37 = arith.constant 0 : i32
        %dma_wait3A_38 = arith.constant 0 : i32
        %dma_wait3A_39 = tpu.memref_slice %arg10[%dma_wait3A_37, %dma_wait3A_38] : memref<10240x64xf32, #tpu.memory_space<vmem_shared>> -> memref<10240x64xf32, #tpu.memory_space<vmem_shared>>
        tpu.wait_indirect_dma semaphore(%run_scoped3A : memref<!tpu.dma_semaphore, #tpu.memory_space<semaphore_mem>>) src(%arg9 : memref<128x64xf32, #tpu.memory_space<vmem>>) dst(%dma_wait3A_39 : memref<10240x64xf32, #tpu.memory_space<vmem_shared>>)
        tpu.yield
      }) : () -> ()
    }
    %scan3A_11 = arith.constant 80 : i32
    %barrier3A_12 = arith.constant 0 : index
    tpu.barrier barrier_id(%barrier3A_12)
    %mul3A_13 = arith.constant 640 : i32
    %mul3A_14 = arith.muli %arg1, %mul3A_13 : i32
    %mul3A_15 = arith.constant 640 : i32
    %mul3A_16 = arith.muli %arg1, %mul3A_15 : i32
    "tpu.region"() ({
      %run_scoped3A = tpu.sem_alloc : memref<!tpu.dma_semaphore, #tpu.memory_space<semaphore_mem>>
      %dma_start3A = arith.constant 0 : i32
      %dma_start3A_17 = arith.constant 0 : i32
      %dma_start3A_18 = tpu.memref_slice %arg6[%arg0, %dma_start3A, %dma_start3A_17] : memref<2x10240x64xf32, #tpu.memory_space<hbm>> -> memref<1x10240x64xf32, #tpu.memory_space<hbm>>
      %dma_start3A_19 = tpu.memref_squeeze %dma_start3A_18 : memref<1x10240x64xf32, #tpu.memory_space<hbm>> -> memref<10240x64xf32, #tpu.memory_space<hbm>>
      %dma_start3A_20 = arith.constant 0 : i32
      %dma_start3A_21 = tpu.memref_slice %dma_start3A_19[%mul3A_16, %dma_start3A_20] : memref<10240x64xf32, #tpu.memory_space<hbm>> -> memref<640x64xf32, #tpu.memory_space<hbm>>
      %dma_start3A_22 = arith.constant 0 : i32
      %dma_start3A_23 = tpu.memref_slice %arg10[%mul3A_14, %dma_start3A_22] : memref<10240x64xf32, #tpu.memory_space<vmem_shared>> -> memref<640x64xf32, #tpu.memory_space<vmem_shared>>
      tpu.enqueue_dma source(%dma_start3A_23 : memref<640x64xf32, #tpu.memory_space<vmem_shared>>) target(%dma_start3A_21 : memref<640x64xf32, #tpu.memory_space<hbm>>) target_semaphore(%run_scoped3A : memref<!tpu.dma_semaphore, #tpu.memory_space<semaphore_mem>>)
      %dma_wait3A = arith.constant 0 : i32
      %dma_wait3A_24 = arith.constant 0 : i32
      %dma_wait3A_25 = tpu.memref_slice %arg6[%arg0, %dma_wait3A, %dma_wait3A_24] : memref<2x10240x64xf32, #tpu.memory_space<hbm>> -> memref<1x10240x64xf32, #tpu.memory_space<hbm>>
      %dma_wait3A_26 = tpu.memref_squeeze %dma_wait3A_25 : memref<1x10240x64xf32, #tpu.memory_space<hbm>> -> memref<10240x64xf32, #tpu.memory_space<hbm>>
      %dma_wait3A_27 = arith.constant 0 : i32
      %dma_wait3A_28 = tpu.memref_slice %dma_wait3A_26[%mul3A_16, %dma_wait3A_27] : memref<10240x64xf32, #tpu.memory_space<hbm>> -> memref<640x64xf32, #tpu.memory_space<hbm>>
      %dma_wait3A_29 = arith.constant 0 : i32
      %dma_wait3A_30 = tpu.memref_slice %arg10[%mul3A_14, %dma_wait3A_29] : memref<10240x64xf32, #tpu.memory_space<vmem_shared>> -> memref<640x64xf32, #tpu.memory_space<vmem_shared>>
      tpu.wait_dma2 semaphore(%run_scoped3A : memref<!tpu.dma_semaphore, #tpu.memory_space<semaphore_mem>>) src(%dma_wait3A_30 : memref<640x64xf32, #tpu.memory_space<vmem_shared>>) dst(%dma_wait3A_28 : memref<640x64xf32, #tpu.memory_space<hbm>>)
      tpu.yield
    }) : () -> ()
    return
  }
}

#map = affine_map<(d0, d1) -> (0, 0)>
#map1 = affine_map<(d0, d1) -> (0, 0, 0)>
module attributes {stable_mosaic.version = 14 : i64} {
  func.func @agg(%arg0: i32, %arg1: i32, %arg2: memref<10240x128xf32, #tpu.memory_space<hbm>>, %arg3: memref<2560x128xi32, #tpu.memory_space<hbm>>, %arg4: memref<2560x128xi32, #tpu.memory_space<hbm>>, %arg5: memref<640x128xf32, #tpu.memory_space<hbm>>, %arg6: memref<2x10240x128xf32, #tpu.memory_space<hbm>>, %arg7: memref<80x128xi32, #tpu.memory_space<vmem>>, %arg8: memref<80x128xi32, #tpu.memory_space<vmem>>, %arg9: memref<128x128xf32, #tpu.memory_space<vmem>>, %arg10: memref<10240x128xf32, #tpu.memory_space<vmem_shared>>, %arg11: memref<!tpu.dma_semaphore, #tpu.memory_space<semaphore_mem>>) attributes {dimension_semantics = [#tpu.dimension_semantics<core_parallel>, #tpu.dimension_semantics<subcore_parallel>], iteration_bounds = array<i64: 2, 16>, scalar_prefetch = 0 : i64, scratch_operands = 5 : i64, tpu.core_type = #tpu.core_type<sc_vector_subcore>, window_params = [{transform_indices = #map}, {transform_indices = #map}, {transform_indices = #map}, {transform_indices = #map}, {transform_indices = #map1}]} {
    %mul3A = arith.constant 2 : i32
    %mul3A_0 = arith.muli %arg1, %mul3A : i32
    %add3A = arith.addi %mul3A_0, %arg0 : i32
    %mul3A_1 = arith.constant 80 : i32
    %mul3A_2 = arith.muli %add3A, %mul3A_1 : i32
    "tpu.region"() ({
      %run_scoped3A = tpu.sem_alloc : memref<!tpu.dma_semaphore, #tpu.memory_space<semaphore_mem>>
      %dma_start3A = arith.constant 0 : i32
      %dma_start3A_17 = tpu.memref_slice %arg3[%mul3A_2, %dma_start3A] : memref<2560x128xi32, #tpu.memory_space<hbm>> -> memref<80x128xi32, #tpu.memory_space<hbm>>
      %dma_start3A_18 = arith.constant 0 : i32
      %dma_start3A_19 = tpu.memref_slice %arg3[%mul3A_2, %dma_start3A_18] : memref<2560x128xi32, #tpu.memory_space<hbm>> -> memref<80x128xi32, #tpu.memory_space<hbm>>
      tpu.enqueue_dma source(%dma_start3A_19 : memref<80x128xi32, #tpu.memory_space<hbm>>) target(%arg7 : memref<80x128xi32, #tpu.memory_space<vmem>>) target_semaphore(%run_scoped3A : memref<!tpu.dma_semaphore, #tpu.memory_space<semaphore_mem>>)
      %dma_wait3A = arith.constant 0 : i32
      %dma_wait3A_20 = tpu.memref_slice %arg3[%mul3A_2, %dma_wait3A] : memref<2560x128xi32, #tpu.memory_space<hbm>> -> memref<80x128xi32, #tpu.memory_space<hbm>>
      %dma_wait3A_21 = arith.constant 0 : i32
      %dma_wait3A_22 = tpu.memref_slice %arg3[%mul3A_2, %dma_wait3A_21] : memref<2560x128xi32, #tpu.memory_space<hbm>> -> memref<80x128xi32, #tpu.memory_space<hbm>>
      tpu.wait_dma2 semaphore(%run_scoped3A : memref<!tpu.dma_semaphore, #tpu.memory_space<semaphore_mem>>) src(%dma_wait3A_22 : memref<80x128xi32, #tpu.memory_space<hbm>>) dst(%arg7 : memref<80x128xi32, #tpu.memory_space<vmem>>)
      tpu.yield
    }) : () -> ()
    %mul3A_3 = arith.constant 80 : i32
    %mul3A_4 = arith.muli %add3A, %mul3A_3 : i32
    "tpu.region"() ({
      %run_scoped3A = tpu.sem_alloc : memref<!tpu.dma_semaphore, #tpu.memory_space<semaphore_mem>>
      %dma_start3A = arith.constant 0 : i32
      %dma_start3A_17 = tpu.memref_slice %arg4[%mul3A_4, %dma_start3A] : memref<2560x128xi32, #tpu.memory_space<hbm>> -> memref<80x128xi32, #tpu.memory_space<hbm>>
      %dma_start3A_18 = arith.constant 0 : i32
      %dma_start3A_19 = tpu.memref_slice %arg4[%mul3A_4, %dma_start3A_18] : memref<2560x128xi32, #tpu.memory_space<hbm>> -> memref<80x128xi32, #tpu.memory_space<hbm>>
      tpu.enqueue_dma source(%dma_start3A_19 : memref<80x128xi32, #tpu.memory_space<hbm>>) target(%arg8 : memref<80x128xi32, #tpu.memory_space<vmem>>) target_semaphore(%run_scoped3A : memref<!tpu.dma_semaphore, #tpu.memory_space<semaphore_mem>>)
      %dma_wait3A = arith.constant 0 : i32
      %dma_wait3A_20 = tpu.memref_slice %arg4[%mul3A_4, %dma_wait3A] : memref<2560x128xi32, #tpu.memory_space<hbm>> -> memref<80x128xi32, #tpu.memory_space<hbm>>
      %dma_wait3A_21 = arith.constant 0 : i32
      %dma_wait3A_22 = tpu.memref_slice %arg4[%mul3A_4, %dma_wait3A_21] : memref<2560x128xi32, #tpu.memory_space<hbm>> -> memref<80x128xi32, #tpu.memory_space<hbm>>
      tpu.wait_dma2 semaphore(%run_scoped3A : memref<!tpu.dma_semaphore, #tpu.memory_space<semaphore_mem>>) src(%dma_wait3A_22 : memref<80x128xi32, #tpu.memory_space<hbm>>) dst(%arg8 : memref<80x128xi32, #tpu.memory_space<vmem>>)
      tpu.yield
    }) : () -> ()
    %mul3A_5 = arith.constant 640 : i32
    %mul3A_6 = arith.muli %arg1, %mul3A_5 : i32
    "tpu.region"() ({
      %run_scoped3A = tpu.sem_alloc : memref<!tpu.dma_semaphore, #tpu.memory_space<semaphore_mem>>
      %dma_start3A = arith.constant 0 : i32
      %dma_start3A_17 = tpu.memref_slice %arg10[%mul3A_6, %dma_start3A] : memref<10240x128xf32, #tpu.memory_space<vmem_shared>> -> memref<640x128xf32, #tpu.memory_space<vmem_shared>>
      tpu.enqueue_dma source(%arg5 : memref<640x128xf32, #tpu.memory_space<hbm>>) target(%dma_start3A_17 : memref<640x128xf32, #tpu.memory_space<vmem_shared>>) target_semaphore(%run_scoped3A : memref<!tpu.dma_semaphore, #tpu.memory_space<semaphore_mem>>)
      %dma_wait3A = arith.constant 0 : i32
      %dma_wait3A_18 = tpu.memref_slice %arg10[%mul3A_6, %dma_wait3A] : memref<10240x128xf32, #tpu.memory_space<vmem_shared>> -> memref<640x128xf32, #tpu.memory_space<vmem_shared>>
      tpu.wait_dma2 semaphore(%run_scoped3A : memref<!tpu.dma_semaphore, #tpu.memory_space<semaphore_mem>>) src(%arg5 : memref<640x128xf32, #tpu.memory_space<hbm>>) dst(%dma_wait3A_18 : memref<640x128xf32, #tpu.memory_space<vmem_shared>>)
      tpu.yield
    }) : () -> ()
    %barrier3A = arith.constant 0 : index
    tpu.barrier barrier_id(%barrier3A)
    %scan3A = arith.constant 0 : i32
    %scan3A_7 = arith.constant 0 : i32
    %scan3A_8 = arith.constant 80 : i32
    %scan3A_9 = arith.addi %scan3A_7, %scan3A_8 : i32
    %scan3A_10 = arith.constant 1 : i32
    scf.for %scan3A_17 = %scan3A_7 to %scan3A_9 step %scan3A_10  : i32 {
      %dma_start3A = arith.constant 0 : i32
      %dma_start3A_18 = tpu.memref_slice %arg7[%scan3A_17, %dma_start3A] : memref<80x128xi32, #tpu.memory_space<vmem>> -> memref<1x128xi32, #tpu.memory_space<vmem>>
      %dma_start3A_19 = tpu.memref_squeeze %dma_start3A_18 : memref<1x128xi32, #tpu.memory_space<vmem>> -> memref<128xi32, #tpu.memory_space<vmem>>
      %dma_start3A_20 = arith.constant 0 : i32
      %dma_start3A_21 = arith.constant 0 : i32
      %dma_start3A_22 = tpu.memref_slice %arg2[%dma_start3A_20, %dma_start3A_21] : memref<10240x128xf32, #tpu.memory_space<hbm>> -> memref<10240x128xf32, #tpu.memory_space<hbm>>
      tpu.enqueue_indirect_dma source(%dma_start3A_22 : memref<10240x128xf32, #tpu.memory_space<hbm>>) target(%arg9 : memref<128x128xf32, #tpu.memory_space<vmem>>) offsets(%dma_start3A_19 : memref<128xi32, #tpu.memory_space<vmem>>) semaphore(%arg11 : memref<!tpu.dma_semaphore, #tpu.memory_space<semaphore_mem>>)
      %dma_wait3A = arith.constant 0 : i32
      %dma_wait3A_23 = tpu.memref_slice %arg7[%scan3A_17, %dma_wait3A] : memref<80x128xi32, #tpu.memory_space<vmem>> -> memref<1x128xi32, #tpu.memory_space<vmem>>
      %dma_wait3A_24 = tpu.memref_squeeze %dma_wait3A_23 : memref<1x128xi32, #tpu.memory_space<vmem>> -> memref<128xi32, #tpu.memory_space<vmem>>
      %dma_wait3A_25 = arith.constant 0 : i32
      %dma_wait3A_26 = arith.constant 0 : i32
      %dma_wait3A_27 = tpu.memref_slice %arg2[%dma_wait3A_25, %dma_wait3A_26] : memref<10240x128xf32, #tpu.memory_space<hbm>> -> memref<10240x128xf32, #tpu.memory_space<hbm>>
      tpu.wait_indirect_dma semaphore(%arg11 : memref<!tpu.dma_semaphore, #tpu.memory_space<semaphore_mem>>) src(%dma_wait3A_27 : memref<10240x128xf32, #tpu.memory_space<hbm>>) dst(%arg9 : memref<128x128xf32, #tpu.memory_space<vmem>>)
      "tpu.region"() ({
        %run_scoped3A = tpu.sem_alloc : memref<!tpu.dma_semaphore, #tpu.memory_space<semaphore_mem>>
        %dma_start3A_28 = arith.constant 0 : i32
        %dma_start3A_29 = tpu.memref_slice %arg8[%scan3A_17, %dma_start3A_28] : memref<80x128xi32, #tpu.memory_space<vmem>> -> memref<1x128xi32, #tpu.memory_space<vmem>>
        %dma_start3A_30 = tpu.memref_squeeze %dma_start3A_29 : memref<1x128xi32, #tpu.memory_space<vmem>> -> memref<128xi32, #tpu.memory_space<vmem>>
        %dma_start3A_31 = arith.constant 0 : i32
        %dma_start3A_32 = arith.constant 0 : i32
        %dma_start3A_33 = tpu.memref_slice %arg10[%dma_start3A_31, %dma_start3A_32] : memref<10240x128xf32, #tpu.memory_space<vmem_shared>> -> memref<10240x128xf32, #tpu.memory_space<vmem_shared>>
        tpu.enqueue_indirect_dma source(%arg9 : memref<128x128xf32, #tpu.memory_space<vmem>>) target(%dma_start3A_33 : memref<10240x128xf32, #tpu.memory_space<vmem_shared>>) offsets(%dma_start3A_30 : memref<128xi32, #tpu.memory_space<vmem>>) semaphore(%run_scoped3A : memref<!tpu.dma_semaphore, #tpu.memory_space<semaphore_mem>>) {add = true}
        %dma_wait3A_34 = arith.constant 0 : i32
        %dma_wait3A_35 = tpu.memref_slice %arg8[%scan3A_17, %dma_wait3A_34] : memref<80x128xi32, #tpu.memory_space<vmem>> -> memref<1x128xi32, #tpu.memory_space<vmem>>
        %dma_wait3A_36 = tpu.memref_squeeze %dma_wait3A_35 : memref<1x128xi32, #tpu.memory_space<vmem>> -> memref<128xi32, #tpu.memory_space<vmem>>
        %dma_wait3A_37 = arith.constant 0 : i32
        %dma_wait3A_38 = arith.constant 0 : i32
        %dma_wait3A_39 = tpu.memref_slice %arg10[%dma_wait3A_37, %dma_wait3A_38] : memref<10240x128xf32, #tpu.memory_space<vmem_shared>> -> memref<10240x128xf32, #tpu.memory_space<vmem_shared>>
        tpu.wait_indirect_dma semaphore(%run_scoped3A : memref<!tpu.dma_semaphore, #tpu.memory_space<semaphore_mem>>) src(%arg9 : memref<128x128xf32, #tpu.memory_space<vmem>>) dst(%dma_wait3A_39 : memref<10240x128xf32, #tpu.memory_space<vmem_shared>>)
        tpu.yield
      }) : () -> ()
    }
    %scan3A_11 = arith.constant 80 : i32
    %barrier3A_12 = arith.constant 0 : index
    tpu.barrier barrier_id(%barrier3A_12)
    %mul3A_13 = arith.constant 640 : i32
    %mul3A_14 = arith.muli %arg1, %mul3A_13 : i32
    %mul3A_15 = arith.constant 640 : i32
    %mul3A_16 = arith.muli %arg1, %mul3A_15 : i32
    "tpu.region"() ({
      %run_scoped3A = tpu.sem_alloc : memref<!tpu.dma_semaphore, #tpu.memory_space<semaphore_mem>>
      %dma_start3A = arith.constant 0 : i32
      %dma_start3A_17 = arith.constant 0 : i32
      %dma_start3A_18 = tpu.memref_slice %arg6[%arg0, %dma_start3A, %dma_start3A_17] : memref<2x10240x128xf32, #tpu.memory_space<hbm>> -> memref<1x10240x128xf32, #tpu.memory_space<hbm>>
      %dma_start3A_19 = tpu.memref_squeeze %dma_start3A_18 : memref<1x10240x128xf32, #tpu.memory_space<hbm>> -> memref<10240x128xf32, #tpu.memory_space<hbm>>
      %dma_start3A_20 = arith.constant 0 : i32
      %dma_start3A_21 = tpu.memref_slice %dma_start3A_19[%mul3A_16, %dma_start3A_20] : memref<10240x128xf32, #tpu.memory_space<hbm>> -> memref<640x128xf32, #tpu.memory_space<hbm>>
      %dma_start3A_22 = arith.constant 0 : i32
      %dma_start3A_23 = tpu.memref_slice %arg10[%mul3A_14, %dma_start3A_22] : memref<10240x128xf32, #tpu.memory_space<vmem_shared>> -> memref<640x128xf32, #tpu.memory_space<vmem_shared>>
      tpu.enqueue_dma source(%dma_start3A_23 : memref<640x128xf32, #tpu.memory_space<vmem_shared>>) target(%dma_start3A_21 : memref<640x128xf32, #tpu.memory_space<hbm>>) target_semaphore(%run_scoped3A : memref<!tpu.dma_semaphore, #tpu.memory_space<semaphore_mem>>)
      %dma_wait3A = arith.constant 0 : i32
      %dma_wait3A_24 = arith.constant 0 : i32
      %dma_wait3A_25 = tpu.memref_slice %arg6[%arg0, %dma_wait3A, %dma_wait3A_24] : memref<2x10240x128xf32, #tpu.memory_space<hbm>> -> memref<1x10240x128xf32, #tpu.memory_space<hbm>>
      %dma_wait3A_26 = tpu.memref_squeeze %dma_wait3A_25 : memref<1x10240x128xf32, #tpu.memory_space<hbm>> -> memref<10240x128xf32, #tpu.memory_space<hbm>>
      %dma_wait3A_27 = arith.constant 0 : i32
      %dma_wait3A_28 = tpu.memref_slice %dma_wait3A_26[%mul3A_16, %dma_wait3A_27] : memref<10240x128xf32, #tpu.memory_space<hbm>> -> memref<640x128xf32, #tpu.memory_space<hbm>>
      %dma_wait3A_29 = arith.constant 0 : i32
      %dma_wait3A_30 = tpu.memref_slice %arg10[%mul3A_14, %dma_wait3A_29] : memref<10240x128xf32, #tpu.memory_space<vmem_shared>> -> memref<640x128xf32, #tpu.memory_space<vmem_shared>>
      tpu.wait_dma2 semaphore(%run_scoped3A : memref<!tpu.dma_semaphore, #tpu.memory_space<semaphore_mem>>) src(%dma_wait3A_30 : memref<640x128xf32, #tpu.memory_space<vmem_shared>>) dst(%dma_wait3A_28 : memref<640x128xf32, #tpu.memory_space<hbm>>)
      tpu.yield
    }) : () -> ()
    return
  }
}

#map = affine_map<(d0, d1) -> (0, 0)>
#map1 = affine_map<(d0, d1) -> (0, 0, 0, 0)>
module attributes {stable_mosaic.version = 14 : i64} {
  func.func @_degrees(%arg0: i32, %arg1: i32, %arg2: memref<2560x128xi32, #tpu.memory_space<hbm>>, %arg3: memref<2560x128xi32, #tpu.memory_space<hbm>>, %arg4: memref<128x16xf32, #tpu.memory_space<hbm>>, %arg5: memref<640x16xf32, #tpu.memory_space<hbm>>, %arg6: memref<2x2x10240x16xf32, #tpu.memory_space<hbm>>, %arg7: memref<80x128xi32, #tpu.memory_space<vmem>>, %arg8: memref<80x128xi32, #tpu.memory_space<vmem>>, %arg9: memref<128x16xf32, #tpu.memory_space<vmem>>, %arg10: memref<10240x16xf32, #tpu.memory_space<vmem_shared>>, %arg11: memref<10240x16xf32, #tpu.memory_space<vmem_shared>>) attributes {dimension_semantics = [#tpu.dimension_semantics<core_parallel>, #tpu.dimension_semantics<subcore_parallel>], iteration_bounds = array<i64: 2, 16>, scalar_prefetch = 0 : i64, scratch_operands = 5 : i64, tpu.core_type = #tpu.core_type<sc_vector_subcore>, window_params = [{transform_indices = #map}, {transform_indices = #map}, {transform_indices = #map}, {transform_indices = #map}, {transform_indices = #map1}]} {
    %mul3A = arith.constant 2 : i32
    %mul3A_0 = arith.muli %arg1, %mul3A : i32
    %add3A = arith.addi %mul3A_0, %arg0 : i32
    %mul3A_1 = arith.constant 80 : i32
    %mul3A_2 = arith.muli %add3A, %mul3A_1 : i32
    "tpu.region"() ({
      %run_scoped3A_24 = tpu.sem_alloc : memref<!tpu.dma_semaphore, #tpu.memory_space<semaphore_mem>>
      %dma_start3A = arith.constant 0 : i32
      %dma_start3A_25 = tpu.memref_slice %arg2[%mul3A_2, %dma_start3A] : memref<2560x128xi32, #tpu.memory_space<hbm>> -> memref<80x128xi32, #tpu.memory_space<hbm>>
      %dma_start3A_26 = arith.constant 0 : i32
      %dma_start3A_27 = tpu.memref_slice %arg2[%mul3A_2, %dma_start3A_26] : memref<2560x128xi32, #tpu.memory_space<hbm>> -> memref<80x128xi32, #tpu.memory_space<hbm>>
      tpu.enqueue_dma source(%dma_start3A_27 : memref<80x128xi32, #tpu.memory_space<hbm>>) target(%arg7 : memref<80x128xi32, #tpu.memory_space<vmem>>) target_semaphore(%run_scoped3A_24 : memref<!tpu.dma_semaphore, #tpu.memory_space<semaphore_mem>>)
      %dma_wait3A = arith.constant 0 : i32
      %dma_wait3A_28 = tpu.memref_slice %arg2[%mul3A_2, %dma_wait3A] : memref<2560x128xi32, #tpu.memory_space<hbm>> -> memref<80x128xi32, #tpu.memory_space<hbm>>
      %dma_wait3A_29 = arith.constant 0 : i32
      %dma_wait3A_30 = tpu.memref_slice %arg2[%mul3A_2, %dma_wait3A_29] : memref<2560x128xi32, #tpu.memory_space<hbm>> -> memref<80x128xi32, #tpu.memory_space<hbm>>
      tpu.wait_dma2 semaphore(%run_scoped3A_24 : memref<!tpu.dma_semaphore, #tpu.memory_space<semaphore_mem>>) src(%dma_wait3A_30 : memref<80x128xi32, #tpu.memory_space<hbm>>) dst(%arg7 : memref<80x128xi32, #tpu.memory_space<vmem>>)
      tpu.yield
    }) : () -> ()
    %mul3A_3 = arith.constant 80 : i32
    %mul3A_4 = arith.muli %add3A, %mul3A_3 : i32
    "tpu.region"() ({
      %run_scoped3A_24 = tpu.sem_alloc : memref<!tpu.dma_semaphore, #tpu.memory_space<semaphore_mem>>
      %dma_start3A = arith.constant 0 : i32
      %dma_start3A_25 = tpu.memref_slice %arg3[%mul3A_4, %dma_start3A] : memref<2560x128xi32, #tpu.memory_space<hbm>> -> memref<80x128xi32, #tpu.memory_space<hbm>>
      %dma_start3A_26 = arith.constant 0 : i32
      %dma_start3A_27 = tpu.memref_slice %arg3[%mul3A_4, %dma_start3A_26] : memref<2560x128xi32, #tpu.memory_space<hbm>> -> memref<80x128xi32, #tpu.memory_space<hbm>>
      tpu.enqueue_dma source(%dma_start3A_27 : memref<80x128xi32, #tpu.memory_space<hbm>>) target(%arg8 : memref<80x128xi32, #tpu.memory_space<vmem>>) target_semaphore(%run_scoped3A_24 : memref<!tpu.dma_semaphore, #tpu.memory_space<semaphore_mem>>)
      %dma_wait3A = arith.constant 0 : i32
      %dma_wait3A_28 = tpu.memref_slice %arg3[%mul3A_4, %dma_wait3A] : memref<2560x128xi32, #tpu.memory_space<hbm>> -> memref<80x128xi32, #tpu.memory_space<hbm>>
      %dma_wait3A_29 = arith.constant 0 : i32
      %dma_wait3A_30 = tpu.memref_slice %arg3[%mul3A_4, %dma_wait3A_29] : memref<2560x128xi32, #tpu.memory_space<hbm>> -> memref<80x128xi32, #tpu.memory_space<hbm>>
      tpu.wait_dma2 semaphore(%run_scoped3A_24 : memref<!tpu.dma_semaphore, #tpu.memory_space<semaphore_mem>>) src(%dma_wait3A_30 : memref<80x128xi32, #tpu.memory_space<hbm>>) dst(%arg8 : memref<80x128xi32, #tpu.memory_space<vmem>>)
      tpu.yield
    }) : () -> ()
    "tpu.region"() ({
      %run_scoped3A_24 = tpu.sem_alloc : memref<!tpu.dma_semaphore, #tpu.memory_space<semaphore_mem>>
      tpu.enqueue_dma source(%arg4 : memref<128x16xf32, #tpu.memory_space<hbm>>) target(%arg9 : memref<128x16xf32, #tpu.memory_space<vmem>>) target_semaphore(%run_scoped3A_24 : memref<!tpu.dma_semaphore, #tpu.memory_space<semaphore_mem>>)
      tpu.wait_dma2 semaphore(%run_scoped3A_24 : memref<!tpu.dma_semaphore, #tpu.memory_space<semaphore_mem>>) src(%arg4 : memref<128x16xf32, #tpu.memory_space<hbm>>) dst(%arg9 : memref<128x16xf32, #tpu.memory_space<vmem>>)
      tpu.yield
    }) : () -> ()
    %mul3A_5 = arith.constant 640 : i32
    %mul3A_6 = arith.muli %arg1, %mul3A_5 : i32
    "tpu.region"() ({
      %run_scoped3A_24 = tpu.sem_alloc : memref<!tpu.dma_semaphore, #tpu.memory_space<semaphore_mem>>
      %dma_start3A = arith.constant 0 : i32
      %dma_start3A_25 = tpu.memref_slice %arg10[%mul3A_6, %dma_start3A] : memref<10240x16xf32, #tpu.memory_space<vmem_shared>> -> memref<640x16xf32, #tpu.memory_space<vmem_shared>>
      tpu.enqueue_dma source(%arg5 : memref<640x16xf32, #tpu.memory_space<hbm>>) target(%dma_start3A_25 : memref<640x16xf32, #tpu.memory_space<vmem_shared>>) target_semaphore(%run_scoped3A_24 : memref<!tpu.dma_semaphore, #tpu.memory_space<semaphore_mem>>)
      %dma_wait3A = arith.constant 0 : i32
      %dma_wait3A_26 = tpu.memref_slice %arg10[%mul3A_6, %dma_wait3A] : memref<10240x16xf32, #tpu.memory_space<vmem_shared>> -> memref<640x16xf32, #tpu.memory_space<vmem_shared>>
      tpu.wait_dma2 semaphore(%run_scoped3A_24 : memref<!tpu.dma_semaphore, #tpu.memory_space<semaphore_mem>>) src(%arg5 : memref<640x16xf32, #tpu.memory_space<hbm>>) dst(%dma_wait3A_26 : memref<640x16xf32, #tpu.memory_space<vmem_shared>>)
      tpu.yield
    }) : () -> ()
    %mul3A_7 = arith.constant 640 : i32
    %mul3A_8 = arith.muli %arg1, %mul3A_7 : i32
    "tpu.region"() ({
      %run_scoped3A_24 = tpu.sem_alloc : memref<!tpu.dma_semaphore, #tpu.memory_space<semaphore_mem>>
      %dma_start3A = arith.constant 0 : i32
      %dma_start3A_25 = tpu.memref_slice %arg11[%mul3A_8, %dma_start3A] : memref<10240x16xf32, #tpu.memory_space<vmem_shared>> -> memref<640x16xf32, #tpu.memory_space<vmem_shared>>
      tpu.enqueue_dma source(%arg5 : memref<640x16xf32, #tpu.memory_space<hbm>>) target(%dma_start3A_25 : memref<640x16xf32, #tpu.memory_space<vmem_shared>>) target_semaphore(%run_scoped3A_24 : memref<!tpu.dma_semaphore, #tpu.memory_space<semaphore_mem>>)
      %dma_wait3A = arith.constant 0 : i32
      %dma_wait3A_26 = tpu.memref_slice %arg11[%mul3A_8, %dma_wait3A] : memref<10240x16xf32, #tpu.memory_space<vmem_shared>> -> memref<640x16xf32, #tpu.memory_space<vmem_shared>>
      tpu.wait_dma2 semaphore(%run_scoped3A_24 : memref<!tpu.dma_semaphore, #tpu.memory_space<semaphore_mem>>) src(%arg5 : memref<640x16xf32, #tpu.memory_space<hbm>>) dst(%dma_wait3A_26 : memref<640x16xf32, #tpu.memory_space<vmem_shared>>)
      tpu.yield
    }) : () -> ()
    %barrier3A = arith.constant 0 : index
    tpu.barrier barrier_id(%barrier3A)
    %scan3A = arith.constant 0 : i32
    %scan3A_9 = arith.constant 0 : i32
    %scan3A_10 = arith.constant 80 : i32
    %scan3A_11 = arith.addi %scan3A_9, %scan3A_10 : i32
    %scan3A_12 = arith.constant 1 : i32
    scf.for %scan3A_24 = %scan3A_9 to %scan3A_11 step %scan3A_12  : i32 {
      "tpu.region"() ({
        %run_scoped3A_25 = tpu.sem_alloc : memref<!tpu.dma_semaphore, #tpu.memory_space<semaphore_mem>>
        %dma_start3A = arith.constant 0 : i32
        %dma_start3A_26 = tpu.memref_slice %arg7[%scan3A_24, %dma_start3A] : memref<80x128xi32, #tpu.memory_space<vmem>> -> memref<1x128xi32, #tpu.memory_space<vmem>>
        %dma_start3A_27 = tpu.memref_squeeze %dma_start3A_26 : memref<1x128xi32, #tpu.memory_space<vmem>> -> memref<128xi32, #tpu.memory_space<vmem>>
        %dma_start3A_28 = arith.constant 0 : i32
        %dma_start3A_29 = arith.constant 0 : i32
        %dma_start3A_30 = tpu.memref_slice %arg10[%dma_start3A_28, %dma_start3A_29] : memref<10240x16xf32, #tpu.memory_space<vmem_shared>> -> memref<10240x16xf32, #tpu.memory_space<vmem_shared>>
        tpu.enqueue_indirect_dma source(%arg9 : memref<128x16xf32, #tpu.memory_space<vmem>>) target(%dma_start3A_30 : memref<10240x16xf32, #tpu.memory_space<vmem_shared>>) offsets(%dma_start3A_27 : memref<128xi32, #tpu.memory_space<vmem>>) semaphore(%run_scoped3A_25 : memref<!tpu.dma_semaphore, #tpu.memory_space<semaphore_mem>>) {add = true}
        %dma_wait3A = arith.constant 0 : i32
        %dma_wait3A_31 = tpu.memref_slice %arg7[%scan3A_24, %dma_wait3A] : memref<80x128xi32, #tpu.memory_space<vmem>> -> memref<1x128xi32, #tpu.memory_space<vmem>>
        %dma_wait3A_32 = tpu.memref_squeeze %dma_wait3A_31 : memref<1x128xi32, #tpu.memory_space<vmem>> -> memref<128xi32, #tpu.memory_space<vmem>>
        %dma_wait3A_33 = arith.constant 0 : i32
        %dma_wait3A_34 = arith.constant 0 : i32
        %dma_wait3A_35 = tpu.memref_slice %arg10[%dma_wait3A_33, %dma_wait3A_34] : memref<10240x16xf32, #tpu.memory_space<vmem_shared>> -> memref<10240x16xf32, #tpu.memory_space<vmem_shared>>
        tpu.wait_indirect_dma semaphore(%run_scoped3A_25 : memref<!tpu.dma_semaphore, #tpu.memory_space<semaphore_mem>>) src(%arg9 : memref<128x16xf32, #tpu.memory_space<vmem>>) dst(%dma_wait3A_35 : memref<10240x16xf32, #tpu.memory_space<vmem_shared>>)
        tpu.yield
      }) : () -> ()
      "tpu.region"() ({
        %run_scoped3A_25 = tpu.sem_alloc : memref<!tpu.dma_semaphore, #tpu.memory_space<semaphore_mem>>
        %dma_start3A = arith.constant 0 : i32
        %dma_start3A_26 = tpu.memref_slice %arg8[%scan3A_24, %dma_start3A] : memref<80x128xi32, #tpu.memory_space<vmem>> -> memref<1x128xi32, #tpu.memory_space<vmem>>
        %dma_start3A_27 = tpu.memref_squeeze %dma_start3A_26 : memref<1x128xi32, #tpu.memory_space<vmem>> -> memref<128xi32, #tpu.memory_space<vmem>>
        %dma_start3A_28 = arith.constant 0 : i32
        %dma_start3A_29 = arith.constant 0 : i32
        %dma_start3A_30 = tpu.memref_slice %arg11[%dma_start3A_28, %dma_start3A_29] : memref<10240x16xf32, #tpu.memory_space<vmem_shared>> -> memref<10240x16xf32, #tpu.memory_space<vmem_shared>>
        tpu.enqueue_indirect_dma source(%arg9 : memref<128x16xf32, #tpu.memory_space<vmem>>) target(%dma_start3A_30 : memref<10240x16xf32, #tpu.memory_space<vmem_shared>>) offsets(%dma_start3A_27 : memref<128xi32, #tpu.memory_space<vmem>>) semaphore(%run_scoped3A_25 : memref<!tpu.dma_semaphore, #tpu.memory_space<semaphore_mem>>) {add = true}
        %dma_wait3A = arith.constant 0 : i32
        %dma_wait3A_31 = tpu.memref_slice %arg8[%scan3A_24, %dma_wait3A] : memref<80x128xi32, #tpu.memory_space<vmem>> -> memref<1x128xi32, #tpu.memory_space<vmem>>
        %dma_wait3A_32 = tpu.memref_squeeze %dma_wait3A_31 : memref<1x128xi32, #tpu.memory_space<vmem>> -> memref<128xi32, #tpu.memory_space<vmem>>
        %dma_wait3A_33 = arith.constant 0 : i32
        %dma_wait3A_34 = arith.constant 0 : i32
        %dma_wait3A_35 = tpu.memref_slice %arg11[%dma_wait3A_33, %dma_wait3A_34] : memref<10240x16xf32, #tpu.memory_space<vmem_shared>> -> memref<10240x16xf32, #tpu.memory_space<vmem_shared>>
        tpu.wait_indirect_dma semaphore(%run_scoped3A_25 : memref<!tpu.dma_semaphore, #tpu.memory_space<semaphore_mem>>) src(%arg9 : memref<128x16xf32, #tpu.memory_space<vmem>>) dst(%dma_wait3A_35 : memref<10240x16xf32, #tpu.memory_space<vmem_shared>>)
        tpu.yield
      }) : () -> ()
    }
    %scan3A_13 = arith.constant 80 : i32
    %barrier3A_14 = arith.constant 0 : index
    tpu.barrier barrier_id(%barrier3A_14)
    %mul3A_15 = arith.constant 640 : i32
    %mul3A_16 = arith.muli %arg1, %mul3A_15 : i32
    %mul3A_17 = arith.constant 640 : i32
    %mul3A_18 = arith.muli %arg1, %mul3A_17 : i32
    %run_scoped3A = arith.constant 0 : i32
    "tpu.region"() ({
      %run_scoped3A_24 = tpu.sem_alloc : memref<!tpu.dma_semaphore, #tpu.memory_space<semaphore_mem>>
      %dma_start3A = arith.constant 0 : i32
      %dma_start3A_25 = arith.constant 0 : i32
      %dma_start3A_26 = arith.constant 0 : i32
      %dma_start3A_27 = tpu.memref_slice %arg6[%arg0, %dma_start3A, %dma_start3A_25, %dma_start3A_26] : memref<2x2x10240x16xf32, #tpu.memory_space<hbm>> -> memref<1x2x10240x16xf32, #tpu.memory_space<hbm>>
      %dma_start3A_28 = tpu.memref_squeeze %dma_start3A_27 : memref<1x2x10240x16xf32, #tpu.memory_space<hbm>> -> memref<2x10240x16xf32, #tpu.memory_space<hbm>>
      %dma_start3A_29 = arith.constant 0 : i32
      %dma_start3A_30 = arith.constant 0 : i32
      %dma_start3A_31 = tpu.memref_slice %dma_start3A_28[%run_scoped3A, %dma_start3A_29, %dma_start3A_30] : memref<2x10240x16xf32, #tpu.memory_space<hbm>> -> memref<1x10240x16xf32, #tpu.memory_space<hbm>>
      %dma_start3A_32 = tpu.memref_squeeze %dma_start3A_31 : memref<1x10240x16xf32, #tpu.memory_space<hbm>> -> memref<10240x16xf32, #tpu.memory_space<hbm>>
      %dma_start3A_33 = arith.constant 0 : i32
      %dma_start3A_34 = tpu.memref_slice %dma_start3A_32[%mul3A_18, %dma_start3A_33] : memref<10240x16xf32, #tpu.memory_space<hbm>> -> memref<640x16xf32, #tpu.memory_space<hbm>>
      %dma_start3A_35 = arith.constant 0 : i32
      %dma_start3A_36 = tpu.memref_slice %arg10[%mul3A_16, %dma_start3A_35] : memref<10240x16xf32, #tpu.memory_space<vmem_shared>> -> memref<640x16xf32, #tpu.memory_space<vmem_shared>>
      tpu.enqueue_dma source(%dma_start3A_36 : memref<640x16xf32, #tpu.memory_space<vmem_shared>>) target(%dma_start3A_34 : memref<640x16xf32, #tpu.memory_space<hbm>>) target_semaphore(%run_scoped3A_24 : memref<!tpu.dma_semaphore, #tpu.memory_space<semaphore_mem>>)
      %dma_wait3A = arith.constant 0 : i32
      %dma_wait3A_37 = arith.constant 0 : i32
      %dma_wait3A_38 = arith.constant 0 : i32
      %dma_wait3A_39 = tpu.memref_slice %arg6[%arg0, %dma_wait3A, %dma_wait3A_37, %dma_wait3A_38] : memref<2x2x10240x16xf32, #tpu.memory_space<hbm>> -> memref<1x2x10240x16xf32, #tpu.memory_space<hbm>>
      %dma_wait3A_40 = tpu.memref_squeeze %dma_wait3A_39 : memref<1x2x10240x16xf32, #tpu.memory_space<hbm>> -> memref<2x10240x16xf32, #tpu.memory_space<hbm>>
      %dma_wait3A_41 = arith.constant 0 : i32
      %dma_wait3A_42 = arith.constant 0 : i32
      %dma_wait3A_43 = tpu.memref_slice %dma_wait3A_40[%run_scoped3A, %dma_wait3A_41, %dma_wait3A_42] : memref<2x10240x16xf32, #tpu.memory_space<hbm>> -> memref<1x10240x16xf32, #tpu.memory_space<hbm>>
      %dma_wait3A_44 = tpu.memref_squeeze %dma_wait3A_43 : memref<1x10240x16xf32, #tpu.memory_space<hbm>> -> memref<10240x16xf32, #tpu.memory_space<hbm>>
      %dma_wait3A_45 = arith.constant 0 : i32
      %dma_wait3A_46 = tpu.memref_slice %dma_wait3A_44[%mul3A_18, %dma_wait3A_45] : memref<10240x16xf32, #tpu.memory_space<hbm>> -> memref<640x16xf32, #tpu.memory_space<hbm>>
      %dma_wait3A_47 = arith.constant 0 : i32
      %dma_wait3A_48 = tpu.memref_slice %arg10[%mul3A_16, %dma_wait3A_47] : memref<10240x16xf32, #tpu.memory_space<vmem_shared>> -> memref<640x16xf32, #tpu.memory_space<vmem_shared>>
      tpu.wait_dma2 semaphore(%run_scoped3A_24 : memref<!tpu.dma_semaphore, #tpu.memory_space<semaphore_mem>>) src(%dma_wait3A_48 : memref<640x16xf32, #tpu.memory_space<vmem_shared>>) dst(%dma_wait3A_46 : memref<640x16xf32, #tpu.memory_space<hbm>>)
      tpu.yield
    }) : () -> ()
    %mul3A_19 = arith.constant 640 : i32
    %mul3A_20 = arith.muli %arg1, %mul3A_19 : i32
    %mul3A_21 = arith.constant 640 : i32
    %mul3A_22 = arith.muli %arg1, %mul3A_21 : i32
    %run_scoped3A_23 = arith.constant 1 : i32
    "tpu.region"() ({
      %run_scoped3A_24 = tpu.sem_alloc : memref<!tpu.dma_semaphore, #tpu.memory_space<semaphore_mem>>
      %dma_start3A = arith.constant 0 : i32
      %dma_start3A_25 = arith.constant 0 : i32
      %dma_start3A_26 = arith.constant 0 : i32
      %dma_start3A_27 = tpu.memref_slice %arg6[%arg0, %dma_start3A, %dma_start3A_25, %dma_start3A_26] : memref<2x2x10240x16xf32, #tpu.memory_space<hbm>> -> memref<1x2x10240x16xf32, #tpu.memory_space<hbm>>
      %dma_start3A_28 = tpu.memref_squeeze %dma_start3A_27 : memref<1x2x10240x16xf32, #tpu.memory_space<hbm>> -> memref<2x10240x16xf32, #tpu.memory_space<hbm>>
      %dma_start3A_29 = arith.constant 0 : i32
      %dma_start3A_30 = arith.constant 0 : i32
      %dma_start3A_31 = tpu.memref_slice %dma_start3A_28[%run_scoped3A_23, %dma_start3A_29, %dma_start3A_30] : memref<2x10240x16xf32, #tpu.memory_space<hbm>> -> memref<1x10240x16xf32, #tpu.memory_space<hbm>>
      %dma_start3A_32 = tpu.memref_squeeze %dma_start3A_31 : memref<1x10240x16xf32, #tpu.memory_space<hbm>> -> memref<10240x16xf32, #tpu.memory_space<hbm>>
      %dma_start3A_33 = arith.constant 0 : i32
      %dma_start3A_34 = tpu.memref_slice %dma_start3A_32[%mul3A_22, %dma_start3A_33] : memref<10240x16xf32, #tpu.memory_space<hbm>> -> memref<640x16xf32, #tpu.memory_space<hbm>>
      %dma_start3A_35 = arith.constant 0 : i32
      %dma_start3A_36 = tpu.memref_slice %arg11[%mul3A_20, %dma_start3A_35] : memref<10240x16xf32, #tpu.memory_space<vmem_shared>> -> memref<640x16xf32, #tpu.memory_space<vmem_shared>>
      tpu.enqueue_dma source(%dma_start3A_36 : memref<640x16xf32, #tpu.memory_space<vmem_shared>>) target(%dma_start3A_34 : memref<640x16xf32, #tpu.memory_space<hbm>>) target_semaphore(%run_scoped3A_24 : memref<!tpu.dma_semaphore, #tpu.memory_space<semaphore_mem>>)
      %dma_wait3A = arith.constant 0 : i32
      %dma_wait3A_37 = arith.constant 0 : i32
      %dma_wait3A_38 = arith.constant 0 : i32
      %dma_wait3A_39 = tpu.memref_slice %arg6[%arg0, %dma_wait3A, %dma_wait3A_37, %dma_wait3A_38] : memref<2x2x10240x16xf32, #tpu.memory_space<hbm>> -> memref<1x2x10240x16xf32, #tpu.memory_space<hbm>>
      %dma_wait3A_40 = tpu.memref_squeeze %dma_wait3A_39 : memref<1x2x10240x16xf32, #tpu.memory_space<hbm>> -> memref<2x10240x16xf32, #tpu.memory_space<hbm>>
      %dma_wait3A_41 = arith.constant 0 : i32
      %dma_wait3A_42 = arith.constant 0 : i32
      %dma_wait3A_43 = tpu.memref_slice %dma_wait3A_40[%run_scoped3A_23, %dma_wait3A_41, %dma_wait3A_42] : memref<2x10240x16xf32, #tpu.memory_space<hbm>> -> memref<1x10240x16xf32, #tpu.memory_space<hbm>>
      %dma_wait3A_44 = tpu.memref_squeeze %dma_wait3A_43 : memref<1x10240x16xf32, #tpu.memory_space<hbm>> -> memref<10240x16xf32, #tpu.memory_space<hbm>>
      %dma_wait3A_45 = arith.constant 0 : i32
      %dma_wait3A_46 = tpu.memref_slice %dma_wait3A_44[%mul3A_22, %dma_wait3A_45] : memref<10240x16xf32, #tpu.memory_space<hbm>> -> memref<640x16xf32, #tpu.memory_space<hbm>>
      %dma_wait3A_47 = arith.constant 0 : i32
      %dma_wait3A_48 = tpu.memref_slice %arg11[%mul3A_20, %dma_wait3A_47] : memref<10240x16xf32, #tpu.memory_space<vmem_shared>> -> memref<640x16xf32, #tpu.memory_space<vmem_shared>>
      tpu.wait_dma2 semaphore(%run_scoped3A_24 : memref<!tpu.dma_semaphore, #tpu.memory_space<semaphore_mem>>) src(%dma_wait3A_48 : memref<640x16xf32, #tpu.memory_space<vmem_shared>>) dst(%dma_wait3A_46 : memref<640x16xf32, #tpu.memory_space<hbm>>)
      tpu.yield
    }) : () -> ()
    return
  }
}

#map = affine_map<(d0, d1) -> (0, 0)>
#map1 = affine_map<(d0, d1) -> (0, 0, 0)>
module attributes {stable_mosaic.version = 14 : i64} {
  func.func @agg(%arg0: i32, %arg1: i32, %arg2: memref<10240x128xf32, #tpu.memory_space<hbm>>, %arg3: memref<2560x128xi32, #tpu.memory_space<hbm>>, %arg4: memref<2560x128xi32, #tpu.memory_space<hbm>>, %arg5: memref<640x128xf32, #tpu.memory_space<hbm>>, %arg6: memref<2x10240x128xf32, #tpu.memory_space<hbm>>, %arg7: memref<80x128xi32, #tpu.memory_space<vmem>>, %arg8: memref<80x128xi32, #tpu.memory_space<vmem>>, %arg9: memref<128x128xf32, #tpu.memory_space<vmem>>, %arg10: memref<10240x128xf32, #tpu.memory_space<vmem_shared>>, %arg11: memref<!tpu.dma_semaphore, #tpu.memory_space<semaphore_mem>>) attributes {dimension_semantics = [#tpu.dimension_semantics<core_parallel>, #tpu.dimension_semantics<subcore_parallel>], iteration_bounds = array<i64: 2, 16>, scalar_prefetch = 0 : i64, scratch_operands = 5 : i64, tpu.core_type = #tpu.core_type<sc_vector_subcore>, window_params = [{transform_indices = #map}, {transform_indices = #map}, {transform_indices = #map}, {transform_indices = #map}, {transform_indices = #map1}]} {
    %mul3A = arith.constant 2 : i32
    %mul3A_0 = arith.muli %arg1, %mul3A : i32
    %add3A = arith.addi %mul3A_0, %arg0 : i32
    %mul3A_1 = arith.constant 80 : i32
    %mul3A_2 = arith.muli %add3A, %mul3A_1 : i32
    "tpu.region"() ({
      %run_scoped3A = tpu.sem_alloc : memref<!tpu.dma_semaphore, #tpu.memory_space<semaphore_mem>>
      %dma_start3A = arith.constant 0 : i32
      %dma_start3A_17 = tpu.memref_slice %arg3[%mul3A_2, %dma_start3A] : memref<2560x128xi32, #tpu.memory_space<hbm>> -> memref<80x128xi32, #tpu.memory_space<hbm>>
      %dma_start3A_18 = arith.constant 0 : i32
      %dma_start3A_19 = tpu.memref_slice %arg3[%mul3A_2, %dma_start3A_18] : memref<2560x128xi32, #tpu.memory_space<hbm>> -> memref<80x128xi32, #tpu.memory_space<hbm>>
      tpu.enqueue_dma source(%dma_start3A_19 : memref<80x128xi32, #tpu.memory_space<hbm>>) target(%arg7 : memref<80x128xi32, #tpu.memory_space<vmem>>) target_semaphore(%run_scoped3A : memref<!tpu.dma_semaphore, #tpu.memory_space<semaphore_mem>>)
      %dma_wait3A = arith.constant 0 : i32
      %dma_wait3A_20 = tpu.memref_slice %arg3[%mul3A_2, %dma_wait3A] : memref<2560x128xi32, #tpu.memory_space<hbm>> -> memref<80x128xi32, #tpu.memory_space<hbm>>
      %dma_wait3A_21 = arith.constant 0 : i32
      %dma_wait3A_22 = tpu.memref_slice %arg3[%mul3A_2, %dma_wait3A_21] : memref<2560x128xi32, #tpu.memory_space<hbm>> -> memref<80x128xi32, #tpu.memory_space<hbm>>
      tpu.wait_dma2 semaphore(%run_scoped3A : memref<!tpu.dma_semaphore, #tpu.memory_space<semaphore_mem>>) src(%dma_wait3A_22 : memref<80x128xi32, #tpu.memory_space<hbm>>) dst(%arg7 : memref<80x128xi32, #tpu.memory_space<vmem>>)
      tpu.yield
    }) : () -> ()
    %mul3A_3 = arith.constant 80 : i32
    %mul3A_4 = arith.muli %add3A, %mul3A_3 : i32
    "tpu.region"() ({
      %run_scoped3A = tpu.sem_alloc : memref<!tpu.dma_semaphore, #tpu.memory_space<semaphore_mem>>
      %dma_start3A = arith.constant 0 : i32
      %dma_start3A_17 = tpu.memref_slice %arg4[%mul3A_4, %dma_start3A] : memref<2560x128xi32, #tpu.memory_space<hbm>> -> memref<80x128xi32, #tpu.memory_space<hbm>>
      %dma_start3A_18 = arith.constant 0 : i32
      %dma_start3A_19 = tpu.memref_slice %arg4[%mul3A_4, %dma_start3A_18] : memref<2560x128xi32, #tpu.memory_space<hbm>> -> memref<80x128xi32, #tpu.memory_space<hbm>>
      tpu.enqueue_dma source(%dma_start3A_19 : memref<80x128xi32, #tpu.memory_space<hbm>>) target(%arg8 : memref<80x128xi32, #tpu.memory_space<vmem>>) target_semaphore(%run_scoped3A : memref<!tpu.dma_semaphore, #tpu.memory_space<semaphore_mem>>)
      %dma_wait3A = arith.constant 0 : i32
      %dma_wait3A_20 = tpu.memref_slice %arg4[%mul3A_4, %dma_wait3A] : memref<2560x128xi32, #tpu.memory_space<hbm>> -> memref<80x128xi32, #tpu.memory_space<hbm>>
      %dma_wait3A_21 = arith.constant 0 : i32
      %dma_wait3A_22 = tpu.memref_slice %arg4[%mul3A_4, %dma_wait3A_21] : memref<2560x128xi32, #tpu.memory_space<hbm>> -> memref<80x128xi32, #tpu.memory_space<hbm>>
      tpu.wait_dma2 semaphore(%run_scoped3A : memref<!tpu.dma_semaphore, #tpu.memory_space<semaphore_mem>>) src(%dma_wait3A_22 : memref<80x128xi32, #tpu.memory_space<hbm>>) dst(%arg8 : memref<80x128xi32, #tpu.memory_space<vmem>>)
      tpu.yield
    }) : () -> ()
    %mul3A_5 = arith.constant 640 : i32
    %mul3A_6 = arith.muli %arg1, %mul3A_5 : i32
    "tpu.region"() ({
      %run_scoped3A = tpu.sem_alloc : memref<!tpu.dma_semaphore, #tpu.memory_space<semaphore_mem>>
      %dma_start3A = arith.constant 0 : i32
      %dma_start3A_17 = tpu.memref_slice %arg10[%mul3A_6, %dma_start3A] : memref<10240x128xf32, #tpu.memory_space<vmem_shared>> -> memref<640x128xf32, #tpu.memory_space<vmem_shared>>
      tpu.enqueue_dma source(%arg5 : memref<640x128xf32, #tpu.memory_space<hbm>>) target(%dma_start3A_17 : memref<640x128xf32, #tpu.memory_space<vmem_shared>>) target_semaphore(%run_scoped3A : memref<!tpu.dma_semaphore, #tpu.memory_space<semaphore_mem>>)
      %dma_wait3A = arith.constant 0 : i32
      %dma_wait3A_18 = tpu.memref_slice %arg10[%mul3A_6, %dma_wait3A] : memref<10240x128xf32, #tpu.memory_space<vmem_shared>> -> memref<640x128xf32, #tpu.memory_space<vmem_shared>>
      tpu.wait_dma2 semaphore(%run_scoped3A : memref<!tpu.dma_semaphore, #tpu.memory_space<semaphore_mem>>) src(%arg5 : memref<640x128xf32, #tpu.memory_space<hbm>>) dst(%dma_wait3A_18 : memref<640x128xf32, #tpu.memory_space<vmem_shared>>)
      tpu.yield
    }) : () -> ()
    %barrier3A = arith.constant 0 : index
    tpu.barrier barrier_id(%barrier3A)
    %scan3A = arith.constant 0 : i32
    %scan3A_7 = arith.constant 0 : i32
    %scan3A_8 = arith.constant 80 : i32
    %scan3A_9 = arith.addi %scan3A_7, %scan3A_8 : i32
    %scan3A_10 = arith.constant 1 : i32
    scf.for %scan3A_17 = %scan3A_7 to %scan3A_9 step %scan3A_10  : i32 {
      %dma_start3A = arith.constant 0 : i32
      %dma_start3A_18 = tpu.memref_slice %arg7[%scan3A_17, %dma_start3A] : memref<80x128xi32, #tpu.memory_space<vmem>> -> memref<1x128xi32, #tpu.memory_space<vmem>>
      %dma_start3A_19 = tpu.memref_squeeze %dma_start3A_18 : memref<1x128xi32, #tpu.memory_space<vmem>> -> memref<128xi32, #tpu.memory_space<vmem>>
      %dma_start3A_20 = arith.constant 0 : i32
      %dma_start3A_21 = arith.constant 0 : i32
      %dma_start3A_22 = tpu.memref_slice %arg2[%dma_start3A_20, %dma_start3A_21] : memref<10240x128xf32, #tpu.memory_space<hbm>> -> memref<10240x128xf32, #tpu.memory_space<hbm>>
      tpu.enqueue_indirect_dma source(%dma_start3A_22 : memref<10240x128xf32, #tpu.memory_space<hbm>>) target(%arg9 : memref<128x128xf32, #tpu.memory_space<vmem>>) offsets(%dma_start3A_19 : memref<128xi32, #tpu.memory_space<vmem>>) semaphore(%arg11 : memref<!tpu.dma_semaphore, #tpu.memory_space<semaphore_mem>>)
      %dma_wait3A = arith.constant 0 : i32
      %dma_wait3A_23 = tpu.memref_slice %arg7[%scan3A_17, %dma_wait3A] : memref<80x128xi32, #tpu.memory_space<vmem>> -> memref<1x128xi32, #tpu.memory_space<vmem>>
      %dma_wait3A_24 = tpu.memref_squeeze %dma_wait3A_23 : memref<1x128xi32, #tpu.memory_space<vmem>> -> memref<128xi32, #tpu.memory_space<vmem>>
      %dma_wait3A_25 = arith.constant 0 : i32
      %dma_wait3A_26 = arith.constant 0 : i32
      %dma_wait3A_27 = tpu.memref_slice %arg2[%dma_wait3A_25, %dma_wait3A_26] : memref<10240x128xf32, #tpu.memory_space<hbm>> -> memref<10240x128xf32, #tpu.memory_space<hbm>>
      tpu.wait_indirect_dma semaphore(%arg11 : memref<!tpu.dma_semaphore, #tpu.memory_space<semaphore_mem>>) src(%dma_wait3A_27 : memref<10240x128xf32, #tpu.memory_space<hbm>>) dst(%arg9 : memref<128x128xf32, #tpu.memory_space<vmem>>)
      "tpu.region"() ({
        %run_scoped3A = tpu.sem_alloc : memref<!tpu.dma_semaphore, #tpu.memory_space<semaphore_mem>>
        %dma_start3A_28 = arith.constant 0 : i32
        %dma_start3A_29 = tpu.memref_slice %arg8[%scan3A_17, %dma_start3A_28] : memref<80x128xi32, #tpu.memory_space<vmem>> -> memref<1x128xi32, #tpu.memory_space<vmem>>
        %dma_start3A_30 = tpu.memref_squeeze %dma_start3A_29 : memref<1x128xi32, #tpu.memory_space<vmem>> -> memref<128xi32, #tpu.memory_space<vmem>>
        %dma_start3A_31 = arith.constant 0 : i32
        %dma_start3A_32 = arith.constant 0 : i32
        %dma_start3A_33 = tpu.memref_slice %arg10[%dma_start3A_31, %dma_start3A_32] : memref<10240x128xf32, #tpu.memory_space<vmem_shared>> -> memref<10240x128xf32, #tpu.memory_space<vmem_shared>>
        tpu.enqueue_indirect_dma source(%arg9 : memref<128x128xf32, #tpu.memory_space<vmem>>) target(%dma_start3A_33 : memref<10240x128xf32, #tpu.memory_space<vmem_shared>>) offsets(%dma_start3A_30 : memref<128xi32, #tpu.memory_space<vmem>>) semaphore(%run_scoped3A : memref<!tpu.dma_semaphore, #tpu.memory_space<semaphore_mem>>) {add = true}
        %dma_wait3A_34 = arith.constant 0 : i32
        %dma_wait3A_35 = tpu.memref_slice %arg8[%scan3A_17, %dma_wait3A_34] : memref<80x128xi32, #tpu.memory_space<vmem>> -> memref<1x128xi32, #tpu.memory_space<vmem>>
        %dma_wait3A_36 = tpu.memref_squeeze %dma_wait3A_35 : memref<1x128xi32, #tpu.memory_space<vmem>> -> memref<128xi32, #tpu.memory_space<vmem>>
        %dma_wait3A_37 = arith.constant 0 : i32
        %dma_wait3A_38 = arith.constant 0 : i32
        %dma_wait3A_39 = tpu.memref_slice %arg10[%dma_wait3A_37, %dma_wait3A_38] : memref<10240x128xf32, #tpu.memory_space<vmem_shared>> -> memref<10240x128xf32, #tpu.memory_space<vmem_shared>>
        tpu.wait_indirect_dma semaphore(%run_scoped3A : memref<!tpu.dma_semaphore, #tpu.memory_space<semaphore_mem>>) src(%arg9 : memref<128x128xf32, #tpu.memory_space<vmem>>) dst(%dma_wait3A_39 : memref<10240x128xf32, #tpu.memory_space<vmem_shared>>)
        tpu.yield
      }) : () -> ()
    }
    %scan3A_11 = arith.constant 80 : i32
    %barrier3A_12 = arith.constant 0 : index
    tpu.barrier barrier_id(%barrier3A_12)
    %mul3A_13 = arith.constant 640 : i32
    %mul3A_14 = arith.muli %arg1, %mul3A_13 : i32
    %mul3A_15 = arith.constant 640 : i32
    %mul3A_16 = arith.muli %arg1, %mul3A_15 : i32
    "tpu.region"() ({
      %run_scoped3A = tpu.sem_alloc : memref<!tpu.dma_semaphore, #tpu.memory_space<semaphore_mem>>
      %dma_start3A = arith.constant 0 : i32
      %dma_start3A_17 = arith.constant 0 : i32
      %dma_start3A_18 = tpu.memref_slice %arg6[%arg0, %dma_start3A, %dma_start3A_17] : memref<2x10240x128xf32, #tpu.memory_space<hbm>> -> memref<1x10240x128xf32, #tpu.memory_space<hbm>>
      %dma_start3A_19 = tpu.memref_squeeze %dma_start3A_18 : memref<1x10240x128xf32, #tpu.memory_space<hbm>> -> memref<10240x128xf32, #tpu.memory_space<hbm>>
      %dma_start3A_20 = arith.constant 0 : i32
      %dma_start3A_21 = tpu.memref_slice %dma_start3A_19[%mul3A_16, %dma_start3A_20] : memref<10240x128xf32, #tpu.memory_space<hbm>> -> memref<640x128xf32, #tpu.memory_space<hbm>>
      %dma_start3A_22 = arith.constant 0 : i32
      %dma_start3A_23 = tpu.memref_slice %arg10[%mul3A_14, %dma_start3A_22] : memref<10240x128xf32, #tpu.memory_space<vmem_shared>> -> memref<640x128xf32, #tpu.memory_space<vmem_shared>>
      tpu.enqueue_dma source(%dma_start3A_23 : memref<640x128xf32, #tpu.memory_space<vmem_shared>>) target(%dma_start3A_21 : memref<640x128xf32, #tpu.memory_space<hbm>>) target_semaphore(%run_scoped3A : memref<!tpu.dma_semaphore, #tpu.memory_space<semaphore_mem>>)
      %dma_wait3A = arith.constant 0 : i32
      %dma_wait3A_24 = arith.constant 0 : i32
      %dma_wait3A_25 = tpu.memref_slice %arg6[%arg0, %dma_wait3A, %dma_wait3A_24] : memref<2x10240x128xf32, #tpu.memory_space<hbm>> -> memref<1x10240x128xf32, #tpu.memory_space<hbm>>
      %dma_wait3A_26 = tpu.memref_squeeze %dma_wait3A_25 : memref<1x10240x128xf32, #tpu.memory_space<hbm>> -> memref<10240x128xf32, #tpu.memory_space<hbm>>
      %dma_wait3A_27 = arith.constant 0 : i32
      %dma_wait3A_28 = tpu.memref_slice %dma_wait3A_26[%mul3A_16, %dma_wait3A_27] : memref<10240x128xf32, #tpu.memory_space<hbm>> -> memref<640x128xf32, #tpu.memory_space<hbm>>
      %dma_wait3A_29 = arith.constant 0 : i32
      %dma_wait3A_30 = tpu.memref_slice %arg10[%mul3A_14, %dma_wait3A_29] : memref<10240x128xf32, #tpu.memory_space<vmem_shared>> -> memref<640x128xf32, #tpu.memory_space<vmem_shared>>
      tpu.wait_dma2 semaphore(%run_scoped3A : memref<!tpu.dma_semaphore, #tpu.memory_space<semaphore_mem>>) src(%dma_wait3A_30 : memref<640x128xf32, #tpu.memory_space<vmem_shared>>) dst(%dma_wait3A_28 : memref<640x128xf32, #tpu.memory_space<hbm>>)
      tpu.yield
    }) : () -> ()
    return
  }
}

module attributes {stable_mosaic.version = 14 : i64} {
  func.func @_first_pre_body(%arg0: i32, %arg1: memref<1024x128xf32, #tpu.memory_space<vmem>>, %arg2: memref<1024x16xf32, #tpu.memory_space<vmem>>, %arg3: memref<1024x16xf32, #tpu.memory_space<vmem>>, %arg4: memref<128x128xf32, #tpu.memory_space<vmem>>, %arg5: memref<1024x128xf32, #tpu.memory_space<vmem>>) attributes {dimension_semantics = [#tpu.dimension_semantics<arbitrary>], iteration_bounds = array<i64: 10>, scalar_prefetch = 0 : i64, scratch_operands = 0 : i64, tpu.core_type = #tpu.core_type<tc>, window_params = [{transform_indices = @transform_0, window_bounds = array<i64: 1024, 128>}, {transform_indices = @transform_1, window_bounds = array<i64: 1024, 16>}, {transform_indices = @transform_2, window_bounds = array<i64: 1024, 16>}, {pipeline_mode = #tpu.pipeline_mode<synchronous>, transform_indices = @transform_3, window_bounds = array<i64: 128, 128>}, {transform_indices = @transform_4, window_bounds = array<i64: 1024, 128>}]} {
    %get3A = arith.constant 0 : index
    %get3A_0 = arith.constant 0 : index
    %get3A_1 = vector.load %arg2[%get3A, %get3A_0] : memref<1024x16xf32, #tpu.memory_space<vmem>>, vector<1024x1xf32>
    %get3A_2 = arith.constant 0 : index
    %get3A_3 = arith.constant 0 : index
    %get3A_4 = vector.load %arg3[%get3A_2, %get3A_3] : memref<1024x16xf32, #tpu.memory_space<vmem>>, vector<1024x1xf32>
    %add3A = arith.addf %get3A_1, %get3A_4 : vector<1024x1xf32>
    %max3A = arith.constant 1.000000e+00 : f32
    %max3A_5 = vector.broadcast %max3A : f32 to vector<1024x1xf32>
    %max3A_6 = arith.maximumf %add3A, %max3A_5 : vector<1024x1xf32>
    %rsqrt3A = math.rsqrt %max3A_6 : vector<1024x1xf32>
    %get3A_7 = arith.constant 0 : index
    %get3A_8 = arith.constant 0 : index
    %get3A_9 = vector.load %arg1[%get3A_7, %get3A_8] : memref<1024x128xf32, #tpu.memory_space<vmem>>, vector<1024x128xf32>
    %mul3A = vector.broadcast %rsqrt3A : vector<1024x1xf32> to vector<1024x128xf32>
    %mul3A_10 = arith.mulf %get3A_9, %mul3A : vector<1024x128xf32>
    %get3A_11 = arith.constant 0 : index
    %get3A_12 = arith.constant 0 : index
    %get3A_13 = vector.load %arg4[%get3A_11, %get3A_12] : memref<128x128xf32, #tpu.memory_space<vmem>>, vector<128x128xf32>
    %dot_general3A = arith.constant dense<0.000000e+00> : vector<1024x128xf32>
    %dot_general3A_14 = tpu.matmul %mul3A_10, %get3A_13, %dot_general3A {dimension_numbers = #tpu.dot_dimension_numbers<[1], [0], [0], [1], [0, 0, 1, 1], [], []>, transpose_lhs_hint = false} : vector<1024x128xf32>, vector<128x128xf32>, vector<1024x128xf32> -> vector<1024x128xf32>
    %swap3A = arith.constant 0 : index
    %swap3A_15 = arith.constant 0 : index
    %swap3A_16 = vector.load %arg5[%swap3A, %swap3A_15] : memref<1024x128xf32, #tpu.memory_space<vmem>>, vector<1024x128xf32>
    tpu.vector_store %arg5[%swap3A, %swap3A_15], %dot_general3A_14 {strides = array<i32>} : memref<1024x128xf32, #tpu.memory_space<vmem>>, vector<1024x128xf32>,
    return
  }
  func.func @transform_0(%arg0: i32) -> (i32, i32) {
    %c0_i32 = arith.constant 0 : i32
    %c0_i32_0 = arith.constant 0 : i32
    return %arg0, %c0_i32 : i32, i32
  }
  func.func @transform_1(%arg0: i32) -> (i32, i32) {
    %c0_i32 = arith.constant 0 : i32
    %c0_i32_0 = arith.constant 0 : i32
    return %arg0, %c0_i32 : i32, i32
  }
  func.func @transform_2(%arg0: i32) -> (i32, i32) {
    %c0_i32 = arith.constant 0 : i32
    %c0_i32_0 = arith.constant 0 : i32
    return %arg0, %c0_i32 : i32, i32
  }
  func.func @transform_3(%arg0: i32) -> (i32, i32) {
    %c0_i32 = arith.constant 0 : i32
    %c0_i32_0 = arith.constant 0 : i32
    %c0_i32_1 = arith.constant 0 : i32
    return %c0_i32, %c0_i32_0 : i32, i32
  }
  func.func @transform_4(%arg0: i32) -> (i32, i32) {
    %c0_i32 = arith.constant 0 : i32
    %c0_i32_0 = arith.constant 0 : i32
    return %arg0, %c0_i32 : i32, i32
  }
}

module attributes {stable_mosaic.version = 14 : i64} {
  func.func @_mid_pre_body(%arg0: i32, %arg1: memref<1024x128xf32, #tpu.memory_space<vmem>>, %arg2: memref<1024x128xf32, #tpu.memory_space<vmem>>, %arg3: memref<1024x16xf32, #tpu.memory_space<vmem>>, %arg4: memref<1024x16xf32, #tpu.memory_space<vmem>>, %arg5: memref<1024x16xf32, #tpu.memory_space<vmem>>, %arg6: memref<1024x16xf32, #tpu.memory_space<vmem>>, %arg7: memref<1x128xf32, #tpu.memory_space<vmem>>, %arg8: memref<128x128xf32, #tpu.memory_space<vmem>>, %arg9: memref<1024x128xf32, #tpu.memory_space<vmem>>) attributes {dimension_semantics = [#tpu.dimension_semantics<arbitrary>], iteration_bounds = array<i64: 10>, scalar_prefetch = 0 : i64, scratch_operands = 0 : i64, tpu.core_type = #tpu.core_type<tc>, window_params = [{transform_indices = @transform_0, window_bounds = array<i64: 1024, 128>}, {transform_indices = @transform_1, window_bounds = array<i64: 1024, 128>}, {transform_indices = @transform_2, window_bounds = array<i64: 1024, 16>}, {transform_indices = @transform_3, window_bounds = array<i64: 1024, 16>}, {transform_indices = @transform_4, window_bounds = array<i64: 1024, 16>}, {transform_indices = @transform_5, window_bounds = array<i64: 1024, 16>}, {pipeline_mode = #tpu.pipeline_mode<synchronous>, transform_indices = @transform_6, window_bounds = array<i64: 1, 128>}, {pipeline_mode = #tpu.pipeline_mode<synchronous>, transform_indices = @transform_7, window_bounds = array<i64: 128, 128>}, {transform_indices = @transform_8, window_bounds = array<i64: 1024, 128>}]} {
    %get3A = arith.constant 0 : index
    %get3A_0 = arith.constant 0 : index
    %get3A_1 = vector.load %arg5[%get3A, %get3A_0] : memref<1024x16xf32, #tpu.memory_space<vmem>>, vector<1024x1xf32>
    %get3A_2 = arith.constant 0 : index
    %get3A_3 = arith.constant 0 : index
    %get3A_4 = vector.load %arg6[%get3A_2, %get3A_3] : memref<1024x16xf32, #tpu.memory_space<vmem>>, vector<1024x1xf32>
    %add3A = arith.addf %get3A_1, %get3A_4 : vector<1024x1xf32>
    %max3A = arith.constant 1.000000e+00 : f32
    %max3A_5 = vector.broadcast %max3A : f32 to vector<1024x1xf32>
    %max3A_6 = arith.maximumf %add3A, %max3A_5 : vector<1024x1xf32>
    %rsqrt3A = math.rsqrt %max3A_6 : vector<1024x1xf32>
    %get3A_7 = arith.constant 0 : index
    %get3A_8 = arith.constant 0 : index
    %get3A_9 = vector.load %arg1[%get3A_7, %get3A_8] : memref<1024x128xf32, #tpu.memory_space<vmem>>, vector<1024x128xf32>
    %get3A_10 = arith.constant 0 : index
    %get3A_11 = arith.constant 0 : index
    %get3A_12 = vector.load %arg2[%get3A_10, %get3A_11] : memref<1024x128xf32, #tpu.memory_space<vmem>>, vector<1024x128xf32>
    %add3A_13 = arith.addf %get3A_9, %get3A_12 : vector<1024x128xf32>
    %mul3A = vector.broadcast %rsqrt3A : vector<1024x1xf32> to vector<1024x128xf32>
    %mul3A_14 = arith.mulf %add3A_13, %mul3A : vector<1024x128xf32>
    %get3A_15 = arith.constant 0 : index
    %get3A_16 = arith.constant 0 : index
    %get3A_17 = vector.load %arg7[%get3A_15, %get3A_16] : memref<1x128xf32, #tpu.memory_space<vmem>>, vector<1x128xf32>
    %add3A_18 = vector.broadcast %get3A_17 : vector<1x128xf32> to vector<1024x128xf32>
    %add3A_19 = arith.addf %mul3A_14, %add3A_18 : vector<1024x128xf32>
    %max3A_20 = arith.constant 0.000000e+00 : f32
    %max3A_21 = vector.broadcast %max3A_20 : f32 to vector<1024x128xf32>
    %max3A_22 = arith.maximumf %add3A_19, %max3A_21 : vector<1024x128xf32>
    %get3A_23 = arith.constant 0 : index
    %get3A_24 = arith.constant 0 : index
    %get3A_25 = vector.load %arg3[%get3A_23, %get3A_24] : memref<1024x16xf32, #tpu.memory_space<vmem>>, vector<1024x1xf32>
    %get3A_26 = arith.constant 0 : index
    %get3A_27 = arith.constant 0 : index
    %get3A_28 = vector.load %arg4[%get3A_26, %get3A_27] : memref<1024x16xf32, #tpu.memory_space<vmem>>, vector<1024x1xf32>
    %add3A_29 = arith.addf %get3A_25, %get3A_28 : vector<1024x1xf32>
    %max3A_30 = arith.constant 1.000000e+00 : f32
    %max3A_31 = vector.broadcast %max3A_30 : f32 to vector<1024x1xf32>
    %max3A_32 = arith.maximumf %add3A_29, %max3A_31 : vector<1024x1xf32>
    %rsqrt3A_33 = math.rsqrt %max3A_32 : vector<1024x1xf32>
    %mul3A_34 = vector.broadcast %rsqrt3A_33 : vector<1024x1xf32> to vector<1024x128xf32>
    %mul3A_35 = arith.mulf %max3A_22, %mul3A_34 : vector<1024x128xf32>
    %get3A_36 = arith.constant 0 : index
    %get3A_37 = arith.constant 0 : index
    %get3A_38 = vector.load %arg8[%get3A_36, %get3A_37] : memref<128x128xf32, #tpu.memory_space<vmem>>, vector<128x128xf32>
    %dot_general3A = arith.constant dense<0.000000e+00> : vector<1024x128xf32>
    %dot_general3A_39 = tpu.matmul %mul3A_35, %get3A_38, %dot_general3A {dimension_numbers = #tpu.dot_dimension_numbers<[1], [0], [0], [1], [0, 0, 1, 1], [], []>, transpose_lhs_hint = false} : vector<1024x128xf32>, vector<128x128xf32>, vector<1024x128xf32> -> vector<1024x128xf32>
    %swap3A = arith.constant 0 : index
    %swap3A_40 = arith.constant 0 : index
    %swap3A_41 = vector.load %arg9[%swap3A, %swap3A_40] : memref<1024x128xf32, #tpu.memory_space<vmem>>, vector<1024x128xf32>
    tpu.vector_store %arg9[%swap3A, %swap3A_40], %dot_general3A_39 {strides = array<i32>} : memref<1024x128xf32, #tpu.memory_space<vmem>>, vector<1024x128xf32>,
    return
  }
  func.func @transform_0(%arg0: i32) -> (i32, i32) {
    %c0_i32 = arith.constant 0 : i32
    %c0_i32_0 = arith.constant 0 : i32
    return %arg0, %c0_i32 : i32, i32
  }
  func.func @transform_1(%arg0: i32) -> (i32, i32) {
    %c0_i32 = arith.constant 0 : i32
    %c0_i32_0 = arith.constant 0 : i32
    return %arg0, %c0_i32 : i32, i32
  }
  func.func @transform_2(%arg0: i32) -> (i32, i32) {
    %c0_i32 = arith.constant 0 : i32
    %c0_i32_0 = arith.constant 0 : i32
    return %arg0, %c0_i32 : i32, i32
  }
  func.func @transform_3(%arg0: i32) -> (i32, i32) {
    %c0_i32 = arith.constant 0 : i32
    %c0_i32_0 = arith.constant 0 : i32
    return %arg0, %c0_i32 : i32, i32
  }
  func.func @transform_4(%arg0: i32) -> (i32, i32) {
    %c0_i32 = arith.constant 0 : i32
    %c0_i32_0 = arith.constant 0 : i32
    return %arg0, %c0_i32 : i32, i32
  }
  func.func @transform_5(%arg0: i32) -> (i32, i32) {
    %c0_i32 = arith.constant 0 : i32
    %c0_i32_0 = arith.constant 0 : i32
    return %arg0, %c0_i32 : i32, i32
  }
  func.func @transform_6(%arg0: i32) -> (i32, i32) {
    %c0_i32 = arith.constant 0 : i32
    %c0_i32_0 = arith.constant 0 : i32
    %c0_i32_1 = arith.constant 0 : i32
    return %c0_i32, %c0_i32_0 : i32, i32
  }
  func.func @transform_7(%arg0: i32) -> (i32, i32) {
    %c0_i32 = arith.constant 0 : i32
    %c0_i32_0 = arith.constant 0 : i32
    %c0_i32_1 = arith.constant 0 : i32
    return %c0_i32, %c0_i32_0 : i32, i32
  }
  func.func @transform_8(%arg0: i32) -> (i32, i32) {
    %c0_i32 = arith.constant 0 : i32
    %c0_i32_0 = arith.constant 0 : i32
    return %arg0, %c0_i32 : i32, i32
  }
}

module attributes {stable_mosaic.version = 14 : i64} {
  func.func @_mid_pre_body(%arg0: i32, %arg1: memref<1024x128xf32, #tpu.memory_space<vmem>>, %arg2: memref<1024x128xf32, #tpu.memory_space<vmem>>, %arg3: memref<1024x16xf32, #tpu.memory_space<vmem>>, %arg4: memref<1024x16xf32, #tpu.memory_space<vmem>>, %arg5: memref<1024x16xf32, #tpu.memory_space<vmem>>, %arg6: memref<1024x16xf32, #tpu.memory_space<vmem>>, %arg7: memref<1x128xf32, #tpu.memory_space<vmem>>, %arg8: memref<128x64xf32, #tpu.memory_space<vmem>>, %arg9: memref<1024x64xf32, #tpu.memory_space<vmem>>) attributes {dimension_semantics = [#tpu.dimension_semantics<arbitrary>], iteration_bounds = array<i64: 10>, scalar_prefetch = 0 : i64, scratch_operands = 0 : i64, tpu.core_type = #tpu.core_type<tc>, window_params = [{transform_indices = @transform_0, window_bounds = array<i64: 1024, 128>}, {transform_indices = @transform_1, window_bounds = array<i64: 1024, 128>}, {transform_indices = @transform_2, window_bounds = array<i64: 1024, 16>}, {transform_indices = @transform_3, window_bounds = array<i64: 1024, 16>}, {transform_indices = @transform_4, window_bounds = array<i64: 1024, 16>}, {transform_indices = @transform_5, window_bounds = array<i64: 1024, 16>}, {pipeline_mode = #tpu.pipeline_mode<synchronous>, transform_indices = @transform_6, window_bounds = array<i64: 1, 128>}, {pipeline_mode = #tpu.pipeline_mode<synchronous>, transform_indices = @transform_7, window_bounds = array<i64: 128, 64>}, {transform_indices = @transform_8, window_bounds = array<i64: 1024, 64>}]} {
    %get3A = arith.constant 0 : index
    %get3A_0 = arith.constant 0 : index
    %get3A_1 = vector.load %arg5[%get3A, %get3A_0] : memref<1024x16xf32, #tpu.memory_space<vmem>>, vector<1024x1xf32>
    %get3A_2 = arith.constant 0 : index
    %get3A_3 = arith.constant 0 : index
    %get3A_4 = vector.load %arg6[%get3A_2, %get3A_3] : memref<1024x16xf32, #tpu.memory_space<vmem>>, vector<1024x1xf32>
    %add3A = arith.addf %get3A_1, %get3A_4 : vector<1024x1xf32>
    %max3A = arith.constant 1.000000e+00 : f32
    %max3A_5 = vector.broadcast %max3A : f32 to vector<1024x1xf32>
    %max3A_6 = arith.maximumf %add3A, %max3A_5 : vector<1024x1xf32>
    %rsqrt3A = math.rsqrt %max3A_6 : vector<1024x1xf32>
    %get3A_7 = arith.constant 0 : index
    %get3A_8 = arith.constant 0 : index
    %get3A_9 = vector.load %arg1[%get3A_7, %get3A_8] : memref<1024x128xf32, #tpu.memory_space<vmem>>, vector<1024x128xf32>
    %get3A_10 = arith.constant 0 : index
    %get3A_11 = arith.constant 0 : index
    %get3A_12 = vector.load %arg2[%get3A_10, %get3A_11] : memref<1024x128xf32, #tpu.memory_space<vmem>>, vector<1024x128xf32>
    %add3A_13 = arith.addf %get3A_9, %get3A_12 : vector<1024x128xf32>
    %mul3A = vector.broadcast %rsqrt3A : vector<1024x1xf32> to vector<1024x128xf32>
    %mul3A_14 = arith.mulf %add3A_13, %mul3A : vector<1024x128xf32>
    %get3A_15 = arith.constant 0 : index
    %get3A_16 = arith.constant 0 : index
    %get3A_17 = vector.load %arg7[%get3A_15, %get3A_16] : memref<1x128xf32, #tpu.memory_space<vmem>>, vector<1x128xf32>
    %add3A_18 = vector.broadcast %get3A_17 : vector<1x128xf32> to vector<1024x128xf32>
    %add3A_19 = arith.addf %mul3A_14, %add3A_18 : vector<1024x128xf32>
    %max3A_20 = arith.constant 0.000000e+00 : f32
    %max3A_21 = vector.broadcast %max3A_20 : f32 to vector<1024x128xf32>
    %max3A_22 = arith.maximumf %add3A_19, %max3A_21 : vector<1024x128xf32>
    %get3A_23 = arith.constant 0 : index
    %get3A_24 = arith.constant 0 : index
    %get3A_25 = vector.load %arg3[%get3A_23, %get3A_24] : memref<1024x16xf32, #tpu.memory_space<vmem>>, vector<1024x1xf32>
    %get3A_26 = arith.constant 0 : index
    %get3A_27 = arith.constant 0 : index
    %get3A_28 = vector.load %arg4[%get3A_26, %get3A_27] : memref<1024x16xf32, #tpu.memory_space<vmem>>, vector<1024x1xf32>
    %add3A_29 = arith.addf %get3A_25, %get3A_28 : vector<1024x1xf32>
    %max3A_30 = arith.constant 1.000000e+00 : f32
    %max3A_31 = vector.broadcast %max3A_30 : f32 to vector<1024x1xf32>
    %max3A_32 = arith.maximumf %add3A_29, %max3A_31 : vector<1024x1xf32>
    %rsqrt3A_33 = math.rsqrt %max3A_32 : vector<1024x1xf32>
    %mul3A_34 = vector.broadcast %rsqrt3A_33 : vector<1024x1xf32> to vector<1024x128xf32>
    %mul3A_35 = arith.mulf %max3A_22, %mul3A_34 : vector<1024x128xf32>
    %get3A_36 = arith.constant 0 : index
    %get3A_37 = arith.constant 0 : index
    %get3A_38 = vector.load %arg8[%get3A_36, %get3A_37] : memref<128x64xf32, #tpu.memory_space<vmem>>, vector<128x64xf32>
    %dot_general3A = arith.constant dense<0.000000e+00> : vector<1024x64xf32>
    %dot_general3A_39 = tpu.matmul %mul3A_35, %get3A_38, %dot_general3A {dimension_numbers = #tpu.dot_dimension_numbers<[1], [0], [0], [1], [0, 0, 1, 1], [], []>, transpose_lhs_hint = false} : vector<1024x128xf32>, vector<128x64xf32>, vector<1024x64xf32> -> vector<1024x64xf32>
    %swap3A = arith.constant 0 : index
    %swap3A_40 = arith.constant 0 : index
    %swap3A_41 = vector.load %arg9[%swap3A, %swap3A_40] : memref<1024x64xf32, #tpu.memory_space<vmem>>, vector<1024x64xf32>
    tpu.vector_store %arg9[%swap3A, %swap3A_40], %dot_general3A_39 {strides = array<i32>} : memref<1024x64xf32, #tpu.memory_space<vmem>>, vector<1024x64xf32>,
    return
  }
  func.func @transform_0(%arg0: i32) -> (i32, i32) {
    %c0_i32 = arith.constant 0 : i32
    %c0_i32_0 = arith.constant 0 : i32
    return %arg0, %c0_i32 : i32, i32
  }
  func.func @transform_1(%arg0: i32) -> (i32, i32) {
    %c0_i32 = arith.constant 0 : i32
    %c0_i32_0 = arith.constant 0 : i32
    return %arg0, %c0_i32 : i32, i32
  }
  func.func @transform_2(%arg0: i32) -> (i32, i32) {
    %c0_i32 = arith.constant 0 : i32
    %c0_i32_0 = arith.constant 0 : i32
    return %arg0, %c0_i32 : i32, i32
  }
  func.func @transform_3(%arg0: i32) -> (i32, i32) {
    %c0_i32 = arith.constant 0 : i32
    %c0_i32_0 = arith.constant 0 : i32
    return %arg0, %c0_i32 : i32, i32
  }
  func.func @transform_4(%arg0: i32) -> (i32, i32) {
    %c0_i32 = arith.constant 0 : i32
    %c0_i32_0 = arith.constant 0 : i32
    return %arg0, %c0_i32 : i32, i32
  }
  func.func @transform_5(%arg0: i32) -> (i32, i32) {
    %c0_i32 = arith.constant 0 : i32
    %c0_i32_0 = arith.constant 0 : i32
    return %arg0, %c0_i32 : i32, i32
  }
  func.func @transform_6(%arg0: i32) -> (i32, i32) {
    %c0_i32 = arith.constant 0 : i32
    %c0_i32_0 = arith.constant 0 : i32
    %c0_i32_1 = arith.constant 0 : i32
    return %c0_i32, %c0_i32_0 : i32, i32
  }
  func.func @transform_7(%arg0: i32) -> (i32, i32) {
    %c0_i32 = arith.constant 0 : i32
    %c0_i32_0 = arith.constant 0 : i32
    %c0_i32_1 = arith.constant 0 : i32
    return %c0_i32, %c0_i32_0 : i32, i32
  }
  func.func @transform_8(%arg0: i32) -> (i32, i32) {
    %c0_i32 = arith.constant 0 : i32
    %c0_i32_0 = arith.constant 0 : i32
    return %arg0, %c0_i32 : i32, i32
  }
}

module attributes {stable_mosaic.version = 14 : i64} {
  func.func @_final_body(%arg0: i32, %arg1: memref<1024x64xf32, #tpu.memory_space<vmem>>, %arg2: memref<1024x64xf32, #tpu.memory_space<vmem>>, %arg3: memref<1024x16xf32, #tpu.memory_space<vmem>>, %arg4: memref<1024x16xf32, #tpu.memory_space<vmem>>, %arg5: memref<1x64xf32, #tpu.memory_space<vmem>>, %arg6: memref<1024x64xf32, #tpu.memory_space<vmem>>) attributes {dimension_semantics = [#tpu.dimension_semantics<arbitrary>], iteration_bounds = array<i64: 10>, scalar_prefetch = 0 : i64, scratch_operands = 0 : i64, tpu.core_type = #tpu.core_type<tc>, window_params = [{transform_indices = @transform_0, window_bounds = array<i64: 1024, 64>}, {transform_indices = @transform_1, window_bounds = array<i64: 1024, 64>}, {transform_indices = @transform_2, window_bounds = array<i64: 1024, 16>}, {transform_indices = @transform_3, window_bounds = array<i64: 1024, 16>}, {pipeline_mode = #tpu.pipeline_mode<synchronous>, transform_indices = @transform_4, window_bounds = array<i64: 1, 64>}, {transform_indices = @transform_5, window_bounds = array<i64: 1024, 64>}]} {
    %get3A = arith.constant 0 : index
    %get3A_0 = arith.constant 0 : index
    %get3A_1 = vector.load %arg3[%get3A, %get3A_0] : memref<1024x16xf32, #tpu.memory_space<vmem>>, vector<1024x1xf32>
    %get3A_2 = arith.constant 0 : index
    %get3A_3 = arith.constant 0 : index
    %get3A_4 = vector.load %arg4[%get3A_2, %get3A_3] : memref<1024x16xf32, #tpu.memory_space<vmem>>, vector<1024x1xf32>
    %add3A = arith.addf %get3A_1, %get3A_4 : vector<1024x1xf32>
    %max3A = arith.constant 1.000000e+00 : f32
    %max3A_5 = vector.broadcast %max3A : f32 to vector<1024x1xf32>
    %max3A_6 = arith.maximumf %add3A, %max3A_5 : vector<1024x1xf32>
    %rsqrt3A = math.rsqrt %max3A_6 : vector<1024x1xf32>
    %get3A_7 = arith.constant 0 : index
    %get3A_8 = arith.constant 0 : index
    %get3A_9 = vector.load %arg1[%get3A_7, %get3A_8] : memref<1024x64xf32, #tpu.memory_space<vmem>>, vector<1024x64xf32>
    %get3A_10 = arith.constant 0 : index
    %get3A_11 = arith.constant 0 : index
    %get3A_12 = vector.load %arg2[%get3A_10, %get3A_11] : memref<1024x64xf32, #tpu.memory_space<vmem>>, vector<1024x64xf32>
    %add3A_13 = arith.addf %get3A_9, %get3A_12 : vector<1024x64xf32>
    %mul3A = vector.broadcast %rsqrt3A : vector<1024x1xf32> to vector<1024x64xf32>
    %mul3A_14 = arith.mulf %add3A_13, %mul3A : vector<1024x64xf32>
    %get3A_15 = arith.constant 0 : index
    %get3A_16 = arith.constant 0 : index
    %get3A_17 = vector.load %arg5[%get3A_15, %get3A_16] : memref<1x64xf32, #tpu.memory_space<vmem>>, vector<1x64xf32>
    %add3A_18 = vector.broadcast %get3A_17 : vector<1x64xf32> to vector<1024x64xf32>
    %add3A_19 = arith.addf %mul3A_14, %add3A_18 : vector<1024x64xf32>
    %swap3A = arith.constant 0 : index
    %swap3A_20 = arith.constant 0 : index
    %swap3A_21 = vector.load %arg6[%swap3A, %swap3A_20] : memref<1024x64xf32, #tpu.memory_space<vmem>>, vector<1024x64xf32>
    tpu.vector_store %arg6[%swap3A, %swap3A_20], %add3A_19 {strides = array<i32>} : memref<1024x64xf32, #tpu.memory_space<vmem>>, vector<1024x64xf32>,
    return
  }
  func.func @transform_0(%arg0: i32) -> (i32, i32) {
    %c0_i32 = arith.constant 0 : i32
    %c0_i32_0 = arith.constant 0 : i32
    return %arg0, %c0_i32 : i32, i32
  }
  func.func @transform_1(%arg0: i32) -> (i32, i32) {
    %c0_i32 = arith.constant 0 : i32
    %c0_i32_0 = arith.constant 0 : i32
    return %arg0, %c0_i32 : i32, i32
  }
  func.func @transform_2(%arg0: i32) -> (i32, i32) {
    %c0_i32 = arith.constant 0 : i32
    %c0_i32_0 = arith.constant 0 : i32
    return %arg0, %c0_i32 : i32, i32
  }
  func.func @transform_3(%arg0: i32) -> (i32, i32) {
    %c0_i32 = arith.constant 0 : i32
    %c0_i32_0 = arith.constant 0 : i32
    return %arg0, %c0_i32 : i32, i32
  }
  func.func @transform_4(%arg0: i32) -> (i32, i32) {
    %c0_i32 = arith.constant 0 : i32
    %c0_i32_0 = arith.constant 0 : i32
    %c0_i32_1 = arith.constant 0 : i32
    return %c0_i32, %c0_i32_0 : i32, i32
  }
  func.func @transform_5(%arg0: i32) -> (i32, i32) {
    %c0_i32 = arith.constant 0 : i32
    %c0_i32_0 = arith.constant 0 : i32
    return %arg0, %c0_i32 : i32, i32
  }
}

</mosaic_0001>

<sc_bundles>
// kernel: kernel.10.cloned.1.call-start
scs
__scs_entry_jumppad:
0x0: {  	(pc) =	sbr.rel $0x88, $3  }
0x1: {  	(tag) =	ssettag $0x0;
	lr =	simm.s32 $0x1  }
0x2: {  	[smem:$0x3F99] =	sst lr;
	_ =	strace $0xD0000000  }
0x3: {  	_ = 	snop  }
0x4: {  	_ = 	snop  }
0x5: {  	_ = 	snop  }
0x6: {  	_ = 	snop  }
0x7: {  	_ = 	snop  }
__scs_overlays_trampoline_lowered:
0x8: {  	[smem:$0x3FA8] =	sst s0  }
0x9: {  	[smem:$0x3FA9] =	sst s1  }
0xa: {  	[smem:$0x3FAA] =	sst s2  }
0xb: {  	[smem:$0x3FAB] =	sst s3  }
0xc: {  	[smem:$0x3FAC] =	sst s4  }
0xd: {  	[smem:$0x3FAD] =	sst s5  }
0xe: {  	[smem:$0x3FAE] =	sst s6  }
0xf: {  	[smem:$0x3FAF] =	sst s7  }
0x10: {  	[smem:$0x3FB0] =	sst s8  }
0x11: {  	[smem:$0x3FB1] =	sst s9;
	s0 =	simm.s32 @!p0 $0x0  }
0x12: {  	s1 =	sld [smem:$0x3F97];
	s0 =	simm.s32 @p0 $0x1  }
0x13: {  	[smem:$0x3FB2] =	sst s0;
	s0 =	simm.s32 @!p1 $0x0  }
0x14: {  	s2 =	sld [smem:$0x3F96];
	s0 =	simm.s32 @p1 $0x1  }
0x15: {  	[smem:$0x3FB3] =	sst s0;
	s0 =	simm.s32 @!p2 $0x0  }
0x16: {  	s3 =	sld [smem:$0x3FDB];
	s0 =	simm.s32 @p2 $0x1  }
0x17: {  	s4 =	simm.s32 $0x1BF5;
	[smem:$0x3FB5] =	sst s0  }
0x18: {  	s0 =	sld [smem:$0x3F98];
	_ =	swait.ge [sflag:s4], $0x0  }
0x19: {  	s7 =	sld [smem:$0x3F99]  }
0x1a: {  	s8 =	sadd.s32 $0xFFFFE003, lr  }
0x1b: {  	s9 =	sadd.s32 $0xFFFFFEF7, lr;
	s5 =	simm.s32 $0xFFFFFFFF;
	p2 =	slt.u32 s8, $0xFFFFF086  }
0x1c: {  	p1 =	slt.u32 s9, $0xF7A;
	s5 =	simm.s32 @!p2 $0x0  }
0x1d: {  	s5 =	simm.s32 @p1 $0x1;
	p0 =	seq.s32 s7, s2  }
0x1e: {  	s7 =	smul.u32 @!p0 $0xF7A, s2;
	p2 =	seq.s32 @!p0 s5, $0x0  }
0x1f: {  	s9 =	smul.u32 $0xF7A, s1;
	s8 =	simm.s32 @!p0 $0x1BF5;
	p2 =	por !p2, p0  }
0x20: {  	[sflag:s8] =	ssyncset.s32 @!p0 $0xFFFFF086;
	s6 =	sadd.s32 @!p0 s3, s7;
	s7 =	simm.s32 @!p0 $0x108  }
0x21: {  	s3 =	sadd.s32 s3, s9;
	s6 =	sadd.s32 @!p0 $0x88, s6;
	s7 =	simm.s32 @p2 $0x1082  }
0x22: {  	[simem:s7], [sflag:s8] =	dma.local @!p0 [hbm:s6], $0xF7A  }
0x23: {  	s9 =	sor.u32 $0xD0000000, s2;
	s6 =	simm.s32 $0x108;
	_ =	swait.ge @!p0 [sflag:s8], $0x0  }
0x24: {  	s3 =	sadd.s32 $0x88, s3;
	s6 =	simm.s32 @!p1 $0x1082;
	[sflag:s4] =	ssyncset.s32 $0xFFFFF086  }
0x25: {  	[simem:s6], [sflag:s4] =	dma.local [hbm:s3], $0xF7A  }
0x26: {  	[smem:$0x3F99] =	sst s1;
	(tag) =	ssettag s2;
	_ =	strace s9  }
0x27: {  	s1 =	sld [smem:$0x3FA9]  }
0x28: {  	s2 =	sld [smem:$0x3FAA]  }
0x29: {  	s4 =	sld [smem:$0x3FAC]  }
0x2a: {  	p0 =	seq.s32 s5, $0x0;
	s5 =	sld [smem:$0x3FAD]  }
0x2b: {  	s6 =	sld [smem:$0x3FAE]  }
0x2c: {  	s7 =	sld [smem:$0x3FAF]  }
0x2d: {  	s3 =	simm.s32 $0x108;
	s8 =	sld [smem:$0x3FB0]  }
0x2e: {  	s3 =	simm.s32 @!p0 $0x1082;
	s9 =	sld [smem:$0x3FB1]  }
0x2f: {  	lr =	sadd.s32 s0, s3;
	s0 =	sld [smem:$0x3FA8]  }
0x30: {  	s3 =	sld [smem:$0x3FAB]  }
0x31: {  	[smem:$0x3FB4] =	sst s10  }
0x32: {  	s10 =	sld [smem:$0x3FB2];
	_ =	sdelay $0x3  }
0x33: {  	p0 =	seq.s32 s10, $0x1;
	s10 =	sld [smem:$0x3FB4];
	_ =	sdelay $0x3  }
0x34: {  	[smem:$0x3FB4] =	sst s10  }
0x35: {  	s10 =	sld [smem:$0x3FB3];
	_ =	sdelay $0x3  }
0x36: {  	p1 =	seq.s32 s10, $0x1;
	s10 =	sld [smem:$0x3FB4];
	_ =	sdelay $0x3  }
0x37: {  	[smem:$0x3FB4] =	sst s10  }
0x38: {  	s10 =	sld [smem:$0x3FB5]  }
0x39: {  	_ = 	snop;
	(pc) =	sbr.ind lr, $3  }
0x3a: {  	_ = 	snop  }
0x3b: {  	_ = 	snop  }
0x3c: {  	p2 =	seq.s32 s10, $0x1;
	s10 =	sld [smem:$0x3FB4]  }
0x3d: {  	_ =	shalt  }
0x3e: {  	_ =	shalt  }
0x3f: {  	_ =	shalt  }
0x40: {  	_ =	shalt  }
0x41: {  	_ =	shalt  }
0x42: {  	_ =	shalt  }
0x43: {  	_ =	shalt  }
0x44: {  	_ =	shalt  }
0x45: {  	_ =	shalt  }
0x46: {  	_ =	shalt  }
0x47: {  	_ =	shalt  }
0x48: {  	_ =	shalt  }
0x49: {  	_ =	shalt  }
0x4a: {  	_ =	shalt  }
0x4b: {  	_ =	shalt  }
0x4c: {  	_ =	shalt  }
0x4d: {  	_ =	shalt  }
0x4e: {  	_ =	shalt  }
0x4f: {  	_ =	shalt  }
0x50: {  	_ =	shalt  }
0x51: {  	_ =	shalt  }
0x52: {  	_ =	shalt  }
0x53: {  	_ =	shalt  }
0x54: {  	_ =	shalt  }
0x55: {  	_ =	shalt  }
0x56: {  	_ =	shalt  }
0x57: {  	_ =	shalt  }
0x58: {  	_ =	shalt  }
0x59: {  	_ =	shalt  }
0x5a: {  	_ =	shalt  }
0x5b: {  	_ =	shalt  }
0x5c: {  	_ =	shalt  }
0x5d: {  	_ =	shalt  }
0x5e: {  	_ =	shalt  }
0x5f: {  	_ =	shalt  }
0x60: {  	_ =	shalt  }
0x61: {  	_ =	shalt  }
0x62: {  	_ =	shalt  }
0x63: {  	_ =	shalt  }
0x64: {  	_ =	shalt  }
0x65: {  	_ =	shalt  }
0x66: {  	_ =	shalt  }
0x67: {  	_ =	shalt  }
0x68: {  	_ =	shalt  }
0x69: {  	_ =	shalt  }
0x6a: {  	_ =	shalt  }
0x6b: {  	_ =	shalt  }
0x6c: {  	_ =	shalt  }
0x6d: {  	_ =	shalt  }
0x6e: {  	_ =	shalt  }
0x6f: {  	_ =	shalt  }
0x70: {  	_ =	shalt  }
0x71: {  	_ =	shalt  }
0x72: {  	_ =	shalt  }
0x73: {  	_ =	shalt  }
0x74: {  	_ =	shalt  }
0x75: {  	_ =	shalt  }
0x76: {  	_ =	shalt  }
0x77: {  	_ =	shalt  }
0x78: {  	_ =	shalt  }
0x79: {  	_ =	shalt  }
0x7a: {  	_ =	shalt  }
0x7b: {  	_ =	shalt  }
0x7c: {  	_ =	shalt  }
0x7d: {  	_ =	shalt  }
0x7e: {  	_ =	shalt  }
0x7f: {  	_ =	shalt  }
0x80: {  	_ =	shalt  }
0x81: {  	_ =	shalt  }
0x82: {  	_ =	shalt  }
0x83: {  	_ =	shalt  }
0x84: {  	_ =	shalt  }
0x85: {  	_ =	shalt  }
0x86: {  	_ =	shalt  }
0x87: {  	_ =	shalt  }
.Lfunc_end0:
.L_simem_size_0:
called_computation_lowered:
.L_overlay_start_0:
0x88: {  	s2 =	sld [smem:$0x3FD9]  }
0x89: {  	s3 =	sld [smem:$0x3FFE];
	_ =	sdelay $0x1  }
0x8a: {  	s1 =	srdreg.scid  }
0x8b: {  	s0 =	sand.u32 $0x1, s1  }
0x8c: {  	s16 =	sshll.u32 s0, $0xA;
	s2 =	sadd.s32 s3, s2  }
0x8d: {  	s2 =	sadd.s32 s2, s16  }
0x8e: {  	[smem:$0x3FC0] =	sst s2  }
0x8f: {  	_ = 	snop  }
0x90: {  	(tm) =	ssettm $0x1  }
0x91: {  	s17 =	sld [smem:$0x3FFB];
	_ =	sdelay $0x3  }
0x92: {  	_ =	strace s17  }
0x93: {  	s2 =	sld [smem:$0x3FFC];
	_ =	sdelay $0x3  }
0x94: {  	_ =	strace s2  }
0x95: {  	s2 =	sld [smem:$0x3FFD];
	_ =	sdelay $0x3  }
0x96: {  	_ =	strace s2  }
0x97: {  	_ =	strace $0x8FFFFFFF  }
0x98: {  	s18 =	sld [smem:$0x3FDB];
	_ =	sdelay $0x1  }
0x99: {  	s19 =	simm.s32 $_scs_section_size  }
0x9a: {  	s4 =	simm.s32 $_size__tile_overlayer_lowered;
	s5 =	simm.s32 $_tile_overlayer_lowered  }
0x9b: {  	s22 =	simm.s32 $0x1BFF;
	s21 =	sshll.u32 s5, $0x1;
	s2 =	sadd.s32 s19, s18  }
0x9c: {  	s6 =	simm.s32 $0x0;
	s20 =	sshll.u32 s4, $0x1;
	s4 =	sadd.s32 s21, s2  }
0x9d: {  	[timem:s6], [sflag:s22] =	dma.local [hbm:s4], s20  }
0x9e: {  	_ =	swait.ge [sflag:s22], s20  }
0x9f: {  	s3 =	ssub.s32 $0x0, s20;
	[sflag:s22] =	ssyncset.done $0x0  }
0xa0: {  	[sflag:s22] =	ssyncadd.s32 s3;
	_ =	sdelay $0x1  }
0xa1: {  	s23 =	simm.s32 $0x1B8B  }
0xa2: {  	_ =	swait.ge [sflag:s23], $0x1  }
0xa3: {  	[sflag:s23] =	ssyncset.done $0x0  }
0xa4: {  	s25 =	simm.s32 $0x1B8E;
	s24 =	sld [smem:$0x3FFE];
	[sflag:s23] =	ssyncadd.s32 $0xFFFFFFFF  }
0xa5: {  	s26 =	simm.s32 $execute0_lowered;
	[smem:$0x3FD2] =	sst s25  }
0xa6: {  	s4 =	sshll.u32 s26, $0x1;
	_ =	strace $0x80000046;
	[dreg:$0x1] =	wrdreg $0xFFFFFFFF  }
0xa7: {  	s28 =	simm.s32 $_size_execute0_lowered;
	s2 =	sadd.s32 s2, s4;
	[dreg:$0x0] =	wrdreg $0x0  }
0xa8: {  	s4 =	sshll.u32 s28, $0x1;
	[dreg:$0x2] =	wrdreg s2  }
0xa9: {  	[dreg:$0x3] =	wrdreg s4  }
0xaa: {  	[dreg:$0x4] =	wrdreg $0xC0  }
0xab: {  	_ =	task [dreg:s6], $0x5FFFF  }
0xac: {  	[dreg:$0x1] =	wrdreg $0xFFFFFFFF  }
0xad: {  	[dreg:$0x0] =	wrdreg $0x60  }
0xae: {  	[dreg:$0x2] =	wrdreg s24  }
0xaf: {  	[dreg:$0x3] =	wrdreg $0x58000  }
0xb0: {  	[dreg:$0x4] =	wrdreg $0x80000  }
0xb1: {  	[dreg:$0x5] =	wrdreg $0x9  }
0xb2: {  	_ =	task.clear_ibuf [dreg:s6], $0x6FFFF;
	_ =	strace $0x90000046  }
0xb3: {  	s29 =	simm.s32 $0x9;
	_ =	strace $0x80000048  }
0xb4: {  	_ =	swait.ge [sflag:s29], $0x1  }
0xb5: {  	[sflag:s29] =	ssyncadd.s32 $0xFFFFFFFF  }
0xb6: {  	_ =	strace $0x90000048  }
0xb7: {  	_ =	sfence  }
0xb8: {  	s30 =	sld [smem:$0x0];
	_ =	sdelay $0x2  }
0xb9: {  	s31 =	sshll.u32 s1, $0xD;
	s1 =	sshrl.u32 s1, $0x2  }
0xba: {  	s3 =	sand.u32 $0x4000, s31;
	s1 =	sadd.s32 s1, s30  }
0xbb: {  	s0 =	sor.u32 s3, s0;
	s1 =	sshll.u32 s1, $0x11  }
0xbc: {  	s0 =	sor.u32 s1, s0  }
0xbd: {  	s0 =	sadd.s32 $0x8F2B, s0  }
0xbe: {  	[sflag:s0] =	ssyncadd.remote.s32 $0x1  }
0xbf: {  	_ =	sfence.sel $0xFFFF  }
0xc0: {  	[dreg:$0x0] =	wrdreg $0xFFFFFFFF;
	(pc) =	sbr.abs _section_cstart, $3  }
0xc1: {  	[dreg:$0x1] =	wrdreg $0xFFFFFFFF  }
0xc2: {  	_ =	task.clear_ibuf [dreg:s6], $0x2FFFF;
	_ =	strace $0x9FFFFFFF  }
0xc3: {  	(tm) =	ssettm $0x7FFFFFFF  }
tec
execute0_lowered:
.L_overlay_start_1:
0x0: {  	(tag) =	ssettag $0x1  }
0x1: {  	s7 =	rddreg [dreg:$0x0]  }
0x2: {  	s2 =	rddreg [dreg:$0x1]  }
0x3: {  	s1 =	srdreg.scid;
	s0 =	stileid.u32  }
0x4: {  	s3 =	rddreg [dreg:$0x2];
	s4 =	simm.s32 $0x0;
	s19 =	simm.s32 $0x0  }
0x5: {  	s5 =	sand.u32 $0x1, s1;
	s6 =	sshll.u32 s0, $0x1;
	s1 =	rddreg [dreg:$0x3]  }
0x6: {  	[smem:$0x7FF] =	sst s4;
	s12 =	smul.u32 $0x2800, s0;
	s13 =	sshll.u32 s0, $0x6  }
0x7: {  	s6 =	sor.u32 s5, s6;
	_ =	strace $0x80000047;
	s9 =	smul.u32 $0xA000, s5  }
0x8: {  	s10 =	ssub.s32 $0x2, s5;
	s5 =	sadd.s32 $0x21A00, s7;
	s13 =	sor.u32 $0x1C01, s13  }
0x9: {  	s6 =	smul.u32 $0x500, s6;
	s11 =	sshrl.u32 s10, $0x1;
	s14 =	sadd.s32 s12, s2  }
0xa: {  	s15 =	sadd.s32 s12, s3;
	s17 =	sshrl.u32 s12, $0x3;
	s12 =	simm.s32 $0x5000  }
0xb: {  	s9 =	sadd.s32 s9, s7;
	s10 =	ssub.s32 s10, s11;
	s11 =	simm.s32 $0x2800  }
0xc: {  	s14 =	sshrl.u32 s14, $0x3;
	s15 =	sshrl.u32 s15, $0x3;
	s8 =	sadd.s32 s6, s7  }
0xd: {  	s6 =	sadd.s32 $0x21400, s7;
	s16 =	sadd.s32 $0x21C00, s9;
	s9 =	smax.u32 s10, $0x1  }
0xe: {  	s10 =	simm.s32 $0x1;
	s7 =	sadd.s32 $0x17400, s8;
	s16 =	sadd.s32 s17, s16  }
0xf: {  	s8 =	sadd.s32 $0xD400, s8;
	s17 =	simm.s32 $0x80;
	s18 =	sadd.s32 $0x5000, s16  }
.LBB2_1:
0x10: {  	[tilespmem:s4], [sflag:$0x1] =	stream.linear.gather [hbm4b:s7+s4], $0x2800, $0x38;
	[tilespmem:$0xA800] =	vst v63  }
0x11: {  	_ =	swait.ge [sflag:s10], $0x2800  }
0x12: {  	[sflag:s10] =	ssyncset.done $0x0  }
0x13: {  	[sflag:s10] =	ssyncadd.s32 $0xFFFFD800  }
0x14: {  	[tilespmem:s11], [sflag:$0x1] =	stream.linear.gather [hbm4b:s8+s4], $0x2800, $0x38;
	[tilespmem:$0xA800] =	vst v63  }
0x15: {  	_ =	swait.ge [sflag:s10], $0x2800  }
0x16: {  	[sflag:s10] =	ssyncset.done $0x0  }
0x17: {  	[sflag:s10] =	ssyncadd.s32 $0xFFFFD800  }
0x18: {  	[tilespmem:s12], [sflag:$0x1] =	stream.linear.gather [hbm4b:s5+s4], $0x800, $0x38;
	[tilespmem:$0xA800] =	vst v63  }
0x19: {  	_ =	swait.ge [sflag:s10], $0x800  }
0x1a: {  	[sflag:s10] =	ssyncset.done $0x0  }
0x1b: {  	[sflag:s10] =	ssyncadd.s32 $0xFFFFF800  }
0x1c: {  	[spmem:s14], [sflag:s13] =	dma.local [hbm:s6], $0x500  }
0x1d: {  	_ =	swait.ge [sflag:s10], $0x500  }
0x1e: {  	[sflag:s10] =	ssyncset.done $0x0  }
0x1f: {  	[sflag:s10] =	ssyncadd.s32 $0xFFFFFB00  }
0x20: {  	[spmem:s15], [sflag:s13] =	dma.local [hbm:s6], $0x500  }
0x21: {  	_ =	swait.ge [sflag:s10], $0x500  }
0x22: {  	[sflag:s10] =	ssyncset.done $0x0  }
0x23: {  	[sflag:s10] =	ssyncadd.s32 $0xFFFFFB00  }
0x24: {  	s20 =	simm.s32 $0x0;
	[bflag:$0x0] =	sbarrier.arrive $0xFFFF  }
0x25: {  	[spmem:s2] =	stream.indirect.scatter.add.f32 [tilespmem:s12], [sflag:$0x1], $0x10, s20, s17, $0xb8;
	[tilespmem:$0xA800] =	vst v63  }
0x26: {  	_ =	swait.ge [sflag:s10], $0x800  }
0x27: {  	[sflag:s10] =	ssyncset.done $0x0  }
0x28: {  	s31 =	simm.s32 $0x2800;
	[sflag:s10] =	ssyncadd.s32 $0xFFFFF800  }
0x29: {  	[spmem:s3] =	stream.indirect.scatter.add.f32 [tilespmem:s12], [sflag:$0x1], $0x10, s31, s17, $0xb8;
	[tilespmem:$0xA800] =	vst v63  }
0x2a: {  	_ =	swait.ge [sflag:s10], $0x800  }
0x2b: {  	s21 =	simm.s32 $0x400;
	s20 =	simm.s32 $0x200;
	[sflag:s10] =	ssyncset.done $0x0  }
.LBB2_2:
0x2c: {  	s22 =	sshra.s32 s20, $0x2  }
0x2d: {  	[sflag:s10] =	ssyncadd.s32 $0xFFFFF800;
	s20 =	smov.u32 s21;
	s23 =	sadd.s32 $0x200, s21  }
0x2e: {  	[spmem:s2] =	stream.indirect.scatter.add.f32 [tilespmem:s12], [sflag:$0x1], $0x10, s22, s17, $0xb8;
	[tilespmem:$0xA800] =	vst v63  }
0x2f: {  	p0 =	sne.s32 s21, $0x9E00;
	_ =	swait.ge [sflag:s10], $0x800  }
.Ltmp0:
0x30: {  	[sflag:s10] =	ssyncset.done $0x0;
	(pc) =	sbr.rel @p0 .LBB2_2-.Ltmp0, $4  }
0x31: {  	s21 =	sadd.s32 $0x2800, s22;
	[sflag:s10] =	ssyncadd.s32 $0xFFFFF800  }
0x32: {  	[spmem:s3] =	stream.indirect.scatter.add.f32 [tilespmem:s12], [sflag:$0x1], $0x10, s21, s17, $0xb8;
	[tilespmem:$0xA800] =	vst v63  }
0x33: {  	_ =	swait.ge [sflag:s10], $0x800  }
0x34: {  	s21 =	smov.u32 s23;
	[sflag:s10] =	ssyncset.done $0x0  }
0x35: {  	s20 =	sshra.s32 s20, $0x2;
	[sflag:s10] =	ssyncadd.s32 $0xFFFFF800  }
0x36: {  	[spmem:s2] =	stream.indirect.scatter.add.f32 [tilespmem:s12], [sflag:$0x1], $0x10, s20, s17, $0xb8;
	[tilespmem:$0xA800] =	vst v63  }
0x37: {  	_ =	swait.ge [sflag:s10], $0x800  }
0x38: {  	[sflag:s10] =	ssyncset.done $0x0  }
0x39: {  	s20 =	sadd.s32 $0x2800, s20;
	[sflag:s10] =	ssyncadd.s32 $0xFFFFF800  }
0x3a: {  	[spmem:s3] =	stream.indirect.scatter.add.f32 [tilespmem:s12], [sflag:$0x1], $0x10, s20, s17, $0xb8;
	[tilespmem:$0xA800] =	vst v63  }
0x3b: {  	_ =	swait.ge [sflag:s10], $0x800  }
0x3c: {  	[sflag:s10] =	ssyncset.done $0x0  }
0x3d: {  	[sflag:s10] =	ssyncadd.s32 $0xFFFFF800  }
0x3e: {  	[bflag:$0x0] =	sbarrier.arrive $0xFFFF  }
0x3f: {  	[hbm:s16], [sflag:s13] =	dma.local [spmem:s14], $0x500  }
0x40: {  	s19 =	sadd.s32 $0x1, s19;
	_ =	swait.ge [sflag:s10], $0x500  }
0x41: {  	p0 =	sne.s32 s19, s9;
	[sflag:s10] =	ssyncset.done $0x0  }
.Ltmp1:
0x42: {  	[sflag:s10] =	ssyncadd.s32 $0xFFFFFB00;
	(pc) =	sbr.rel @p0 .LBB2_1-.Ltmp1, $4  }
0x43: {  	[hbm:s18], [sflag:s13] =	dma.local [spmem:s15], $0x500  }
0x44: {  	_ =	swait.ge [sflag:s10], $0x500  }
0x45: {  	[sflag:s10] =	ssyncset.done $0x0  }
0x46: {  	[sflag:s10] =	ssyncadd.s32 $0xFFFFFB00  }
0x47: {  	_ =	sfence.sel $0x180000  }
0x48: {  	[bflag:$0x0] =	sbarrier.arrive $0xFFFF  }
0x49: {  	p0 =	sne.s32 s0, $0x0;
	_ =	strace $0x90000047  }
0x4a: {  	s0 =	sadd.s32 @!p0 $0x100000, s1;
	[bflag:$0x2] =	sbarrier.arrive $0xFFFF  }
0x4b: {  	[sflag:s0] =	ssyncadd.tile.s32 @!p0 $0x1;
	_ =	shalt  }
.Lfunc_end2:
_tile_overlayer_lowered:
.L_overlay_start_2:
0x4c: {  	(tag) =	ssettag $0x2  }
0x4d: {  	s0 =	rddreg [dreg:$0x0];
	s2 =	stileid.u32  }
0x4e: {  	s1 =	rddreg [dreg:$0x1];
	p0 =	sne.s32 s2, $0x0  }
0x4f: {  	s3 =	rddreg [dreg:$0x2];
	[bflag:$0x3] =	sbarrier.arrive $0xFFFF;
	s2 =	simm.s32 @!p0 $0x1C01  }
0x50: {  	[timem:s3], [sflag:s2] =	dma.local @!p0 [hbm:s0], s1  }
0x51: {  	s0 =	simm.s32 @!p0 $0x1  }
0x52: {  	_ =	swait.ge @!p0 [sflag:s0], s1  }
0x53: {  	s1 =	ssub.s32 @!p0 $0x0, s1;
	[sflag:s0] =	ssyncset.done @!p0 $0x0  }
0x54: {  	[sflag:s0] =	ssyncadd.s32 @!p0 s1  }
0x55: {  	[bflag:$0x3] =	sbarrier.arrive $0xFFFF  }
0x56: {  	_ =	shalt  }

// kernel: kernel.13.cloned.1.call-start
scs
__scs_entry_jumppad:
0x0: {  	(pc) =	sbr.rel $0x88, $3  }
0x1: {  	(tag) =	ssettag $0x0;
	lr =	simm.s32 $0x1  }
0x2: {  	[smem:$0x3F99] =	sst lr;
	_ =	strace $0xD0000000  }
0x3: {  	_ = 	snop  }
0x4: {  	_ = 	snop  }
0x5: {  	_ = 	snop  }
0x6: {  	_ = 	snop  }
0x7: {  	_ = 	snop  }
__scs_overlays_trampoline_lowered:
0x8: {  	[smem:$0x3FA8] =	sst s0  }
0x9: {  	[smem:$0x3FA9] =	sst s1  }
0xa: {  	[smem:$0x3FAA] =	sst s2  }
0xb: {  	[smem:$0x3FAB] =	sst s3  }
0xc: {  	[smem:$0x3FAC] =	sst s4  }
0xd: {  	[smem:$0x3FAD] =	sst s5  }
0xe: {  	[smem:$0x3FAE] =	sst s6  }
0xf: {  	[smem:$0x3FAF] =	sst s7  }
0x10: {  	[smem:$0x3FB0] =	sst s8  }
0x11: {  	[smem:$0x3FB1] =	sst s9;
	s0 =	simm.s32 @!p0 $0x0  }
0x12: {  	s1 =	sld [smem:$0x3F97];
	s0 =	simm.s32 @p0 $0x1  }
0x13: {  	[smem:$0x3FB2] =	sst s0;
	s0 =	simm.s32 @!p1 $0x0  }
0x14: {  	s2 =	sld [smem:$0x3F96];
	s0 =	simm.s32 @p1 $0x1  }
0x15: {  	[smem:$0x3FB3] =	sst s0;
	s0 =	simm.s32 @!p2 $0x0  }
0x16: {  	s3 =	sld [smem:$0x3FDB];
	s0 =	simm.s32 @p2 $0x1  }
0x17: {  	s4 =	simm.s32 $0x1BF5;
	[smem:$0x3FB5] =	sst s0  }
0x18: {  	s0 =	sld [smem:$0x3F98];
	_ =	swait.ge [sflag:s4], $0x0  }
0x19: {  	s7 =	sld [smem:$0x3F99]  }
0x1a: {  	s8 =	sadd.s32 $0xFFFFE003, lr  }
0x1b: {  	s9 =	sadd.s32 $0xFFFFFEF7, lr;
	s5 =	simm.s32 $0xFFFFFFFF;
	p2 =	slt.u32 s8, $0xFFFFF086  }
0x1c: {  	p1 =	slt.u32 s9, $0xF7A;
	s5 =	simm.s32 @!p2 $0x0  }
0x1d: {  	s5 =	simm.s32 @p1 $0x1;
	p0 =	seq.s32 s7, s2  }
0x1e: {  	s7 =	smul.u32 @!p0 $0xF7A, s2;
	p2 =	seq.s32 @!p0 s5, $0x0  }
0x1f: {  	s9 =	smul.u32 $0xF7A, s1;
	s8 =	simm.s32 @!p0 $0x1BF5;
	p2 =	por !p2, p0  }
0x20: {  	[sflag:s8] =	ssyncset.s32 @!p0 $0xFFFFF086;
	s6 =	sadd.s32 @!p0 s3, s7;
	s7 =	simm.s32 @!p0 $0x108  }
0x21: {  	s3 =	sadd.s32 s3, s9;
	s6 =	sadd.s32 @!p0 $0x88, s6;
	s7 =	simm.s32 @p2 $0x1082  }
0x22: {  	[simem:s7], [sflag:s8] =	dma.local @!p0 [hbm:s6], $0xF7A  }
0x23: {  	s9 =	sor.u32 $0xD0000000, s2;
	s6 =	simm.s32 $0x108;
	_ =	swait.ge @!p0 [sflag:s8], $0x0  }
0x24: {  	s3 =	sadd.s32 $0x88, s3;
	s6 =	simm.s32 @!p1 $0x1082;
	[sflag:s4] =	ssyncset.s32 $0xFFFFF086  }
0x25: {  	[simem:s6], [sflag:s4] =	dma.local [hbm:s3], $0xF7A  }
0x26: {  	[smem:$0x3F99] =	sst s1;
	(tag) =	ssettag s2;
	_ =	strace s9  }
0x27: {  	s1 =	sld [smem:$0x3FA9]  }
0x28: {  	s2 =	sld [smem:$0x3FAA]  }
0x29: {  	s4 =	sld [smem:$0x3FAC]  }
0x2a: {  	p0 =	seq.s32 s5, $0x0;
	s5 =	sld [smem:$0x3FAD]  }
0x2b: {  	s6 =	sld [smem:$0x3FAE]  }
0x2c: {  	s7 =	sld [smem:$0x3FAF]  }
0x2d: {  	s3 =	simm.s32 $0x108;
	s8 =	sld [smem:$0x3FB0]  }
0x2e: {  	s3 =	simm.s32 @!p0 $0x1082;
	s9 =	sld [smem:$0x3FB1]  }
0x2f: {  	lr =	sadd.s32 s0, s3;
	s0 =	sld [smem:$0x3FA8]  }
0x30: {  	s3 =	sld [smem:$0x3FAB]  }
0x31: {  	[smem:$0x3FB4] =	sst s10  }
0x32: {  	s10 =	sld [smem:$0x3FB2];
	_ =	sdelay $0x3  }
0x33: {  	p0 =	seq.s32 s10, $0x1;
	s10 =	sld [smem:$0x3FB4];
	_ =	sdelay $0x3  }
0x34: {  	[smem:$0x3FB4] =	sst s10  }
0x35: {  	s10 =	sld [smem:$0x3FB3];
	_ =	sdelay $0x3  }
0x36: {  	p1 =	seq.s32 s10, $0x1;
	s10 =	sld [smem:$0x3FB4];
	_ =	sdelay $0x3  }
0x37: {  	[smem:$0x3FB4] =	sst s10  }
0x38: {  	s10 =	sld [smem:$0x3FB5]  }
0x39: {  	_ = 	snop;
	(pc) =	sbr.ind lr, $3  }
0x3a: {  	_ = 	snop  }
0x3b: {  	_ = 	snop  }
0x3c: {  	p2 =	seq.s32 s10, $0x1;
	s10 =	sld [smem:$0x3FB4]  }
0x3d: {  	_ =	shalt  }
0x3e: {  	_ =	shalt  }
0x3f: {  	_ =	shalt  }
0x40: {  	_ =	shalt  }
0x41: {  	_ =	shalt  }
0x42: {  	_ =	shalt  }
0x43: {  	_ =	shalt  }
0x44: {  	_ =	shalt  }
0x45: {  	_ =	shalt  }
0x46: {  	_ =	shalt  }
0x47: {  	_ =	shalt  }
0x48: {  	_ =	shalt  }
0x49: {  	_ =	shalt  }
0x4a: {  	_ =	shalt  }
0x4b: {  	_ =	shalt  }
0x4c: {  	_ =	shalt  }
0x4d: {  	_ =	shalt  }
0x4e: {  	_ =	shalt  }
0x4f: {  	_ =	shalt  }
0x50: {  	_ =	shalt  }
0x51: {  	_ =	shalt  }
0x52: {  	_ =	shalt  }
0x53: {  	_ =	shalt  }
0x54: {  	_ =	shalt  }
0x55: {  	_ =	shalt  }
0x56: {  	_ =	shalt  }
0x57: {  	_ =	shalt  }
0x58: {  	_ =	shalt  }
0x59: {  	_ =	shalt  }
0x5a: {  	_ =	shalt  }
0x5b: {  	_ =	shalt  }
0x5c: {  	_ =	shalt  }
0x5d: {  	_ =	shalt  }
0x5e: {  	_ =	shalt  }
0x5f: {  	_ =	shalt  }
0x60: {  	_ =	shalt  }
0x61: {  	_ =	shalt  }
0x62: {  	_ =	shalt  }
0x63: {  	_ =	shalt  }
0x64: {  	_ =	shalt  }
0x65: {  	_ =	shalt  }
0x66: {  	_ =	shalt  }
0x67: {  	_ =	shalt  }
0x68: {  	_ =	shalt  }
0x69: {  	_ =	shalt  }
0x6a: {  	_ =	shalt  }
0x6b: {  	_ =	shalt  }
0x6c: {  	_ =	shalt  }
0x6d: {  	_ =	shalt  }
0x6e: {  	_ =	shalt  }
0x6f: {  	_ =	shalt  }
0x70: {  	_ =	shalt  }
0x71: {  	_ =	shalt  }
0x72: {  	_ =	shalt  }
0x73: {  	_ =	shalt  }
0x74: {  	_ =	shalt  }
0x75: {  	_ =	shalt  }
0x76: {  	_ =	shalt  }
0x77: {  	_ =	shalt  }
0x78: {  	_ =	shalt  }
0x79: {  	_ =	shalt  }
0x7a: {  	_ =	shalt  }
0x7b: {  	_ =	shalt  }
0x7c: {  	_ =	shalt  }
0x7d: {  	_ =	shalt  }
0x7e: {  	_ =	shalt  }
0x7f: {  	_ =	shalt  }
0x80: {  	_ =	shalt  }
0x81: {  	_ =	shalt  }
0x82: {  	_ =	shalt  }
0x83: {  	_ =	shalt  }
0x84: {  	_ =	shalt  }
0x85: {  	_ =	shalt  }
0x86: {  	_ =	shalt  }
0x87: {  	_ =	shalt  }
.Lfunc_end0:
.L_simem_size_0:
called_computation.1_lowered:
.L_overlay_start_0:
0x88: {  	s2 =	sld [smem:$0x3FD9]  }
0x89: {  	s3 =	sld [smem:$0x3FFE];
	_ =	sdelay $0x1  }
0x8a: {  	s1 =	srdreg.scid  }
0x8b: {  	s0 =	sand.u32 $0x1, s1  }
0x8c: {  	s17 =	sshll.u32 s0, $0xA;
	s2 =	sadd.s32 s3, s2  }
0x8d: {  	s2 =	sadd.s32 s2, s17  }
0x8e: {  	[smem:$0x3FC0] =	sst s2  }
0x8f: {  	_ = 	snop  }
0x90: {  	s2 =	sld [smem:$0x3FD0];
	(tm) =	ssettm $0x1  }
0x91: {  	s18 =	sld [smem:$0x3FFB];
	_ =	sdelay $0x3  }
0x92: {  	_ =	strace s18  }
0x93: {  	s3 =	sld [smem:$0x3FFC];
	_ =	sdelay $0x3  }
0x94: {  	_ =	strace s3  }
0x95: {  	s3 =	sld [smem:$0x3FFD];
	_ =	sdelay $0x3  }
0x96: {  	_ =	strace s3  }
0x97: {  	_ =	strace $0x8FFFFFFF  }
0x98: {  	s19 =	sld [smem:$0x3FDB];
	_ =	sdelay $0x1  }
0x99: {  	s4 =	simm.s32 $_scs_section_size  }
0x9a: {  	s5 =	simm.s32 $_size__tile_overlayer_lowered;
	s6 =	simm.s32 $_tile_overlayer_lowered  }
0x9b: {  	s22 =	simm.s32 $0x1BFF;
	s21 =	sshll.u32 s6, $0x1;
	s3 =	sadd.s32 s4, s19  }
0x9c: {  	s7 =	simm.s32 $0x0;
	s20 =	sshll.u32 s5, $0x1;
	s5 =	sadd.s32 s21, s3  }
0x9d: {  	[timem:s7], [sflag:s22] =	dma.local [hbm:s5], s20  }
0x9e: {  	_ =	swait.ge [sflag:s22], s20  }
0x9f: {  	s4 =	ssub.s32 $0x0, s20;
	[sflag:s22] =	ssyncset.done $0x0  }
0xa0: {  	[sflag:s22] =	ssyncadd.s32 s4;
	_ =	sdelay $0x1  }
0xa1: {  	s23 =	simm.s32 $0x1B8B  }
0xa2: {  	_ =	swait.ge [sflag:s23], $0x1  }
0xa3: {  	[sflag:s23] =	ssyncset.done $0x0  }
0xa4: {  	s25 =	simm.s32 $0x1B8E;
	s24 =	sld [smem:$0x3FFE];
	[sflag:s23] =	ssyncadd.s32 $0xFFFFFFFF  }
0xa5: {  	s26 =	simm.s32 $execute0_lowered;
	[smem:$0x3FD2] =	sst s25  }
0xa6: {  	s5 =	sshll.u32 s26, $0x1;
	_ =	strace $0x80000049;
	[dreg:$0x1] =	wrdreg $0xFFFFFFFF  }
0xa7: {  	s28 =	simm.s32 $_size_execute0_lowered;
	s3 =	sadd.s32 s3, s5;
	[dreg:$0x0] =	wrdreg $0x0  }
0xa8: {  	s5 =	sshll.u32 s28, $0x1;
	[dreg:$0x2] =	wrdreg s3  }
0xa9: {  	[dreg:$0x3] =	wrdreg s5  }
0xaa: {  	[dreg:$0x4] =	wrdreg $0xC0  }
0xab: {  	_ =	task [dreg:s7], $0x5FFFF  }
0xac: {  	[dreg:$0x1] =	wrdreg $0xFFFFFFFF  }
0xad: {  	[dreg:$0x0] =	wrdreg $0x60  }
0xae: {  	[dreg:$0x2] =	wrdreg s24  }
0xaf: {  	[dreg:$0x3] =	wrdreg s2  }
0xb0: {  	[dreg:$0x4] =	wrdreg $0x90000  }
0xb1: {  	[dreg:$0x5] =	wrdreg $0x9  }
0xb2: {  	_ =	task.clear_ibuf [dreg:s7], $0x6FFFF;
	_ =	strace $0x90000049  }
0xb3: {  	s29 =	simm.s32 $0x9;
	_ =	strace $0x8000004B  }
0xb4: {  	_ =	swait.ge [sflag:s29], $0x1  }
0xb5: {  	[sflag:s29] =	ssyncadd.s32 $0xFFFFFFFF  }
0xb6: {  	_ =	strace $0x9000004B  }
0xb7: {  	_ =	sfence  }
0xb8: {  	s30 =	sld [smem:$0x0];
	_ =	sdelay $0x2  }
0xb9: {  	s31 =	sshll.u32 s1, $0xD;
	s1 =	sshrl.u32 s1, $0x2  }
0xba: {  	s3 =	sand.u32 $0x4000, s31;
	s1 =	sadd.s32 s1, s30  }
0xbb: {  	s0 =	sor.u32 s3, s0;
	s1 =	sshll.u32 s1, $0x11  }
0xbc: {  	s0 =	sor.u32 s1, s0  }
0xbd: {  	s0 =	sadd.s32 $0x8F2B, s0  }
0xbe: {  	[sflag:s0] =	ssyncadd.remote.s32 $0x1  }
0xbf: {  	_ =	sfence.sel $0xFFFF  }
0xc0: {  	[dreg:$0x0] =	wrdreg $0xFFFFFFFF;
	(pc) =	sbr.abs _section_cstart, $3  }
0xc1: {  	[dreg:$0x1] =	wrdreg $0xFFFFFFFF  }
0xc2: {  	_ =	task.clear_ibuf [dreg:s7], $0x2FFFF;
	_ =	strace $0x9FFFFFFF  }
0xc3: {  	(tm) =	ssettm $0x7FFFFFFF  }
tec
execute0_lowered:
.L_overlay_start_1:
0x0: {  	(tag) =	ssettag $0x1  }
0x1: {  	s6 =	rddreg [dreg:$0x0]  }
0x2: {  	s7 =	rddreg [dreg:$0x1];
	s1 =	srdreg.scid  }
0x3: {  	s0 =	stileid.u32;
	s2 =	rddreg [dreg:$0x2];
	s3 =	simm.s32 $0x0  }
0x4: {  	s13 =	simm.s32 $0x80;
	s14 =	simm.s32 $0x5000;
	s15 =	simm.s32 $0x1  }
0x5: {  	s5 =	sand.u32 $0x1, s1;
	s1 =	rddreg [dreg:$0x3];
	s12 =	smul.u32 $0x50000, s0  }
0x6: {  	s4 =	sshll.u32 s0, $0x1;
	[smem:$0x7FF] =	sst s3;
	s17 =	smul.u32 $0x2800, s0  }
0x7: {  	s31 =	sshll.u32 s0, $0x6;
	s4 =	sor.u32 s5, s4;
	_ =	strace $0x8000004A  }
0x8: {  	s9 =	smul.u32 $0x28000, s5;
	s11 =	ssub.s32 $0x2, s5;
	s5 =	sadd.s32 $0x71400, s6  }
0x9: {  	s8 =	smul.u32 $0x500, s4;
	s4 =	sadd.s32 $0x49400, s6;
	s29 =	sshrl.u32 s11, $0x1  }
0xa: {  	s30 =	sshrl.u32 s12, $0x2;
	s9 =	sadd.s32 s9, s6;
	s11 =	ssub.s32 s11, s29  }
0xb: {  	s12 =	sadd.s32 s30, s2;
	s10 =	sadd.s32 s8, s6;
	s7 =	sadd.s32 s7, s8  }
0xc: {  	s16 =	sadd.s32 $0x73C00, s9;
	s8 =	smax.u32 s11, $0x1;
	s9 =	simm.s32 $0x2  }
0xd: {  	s11 =	sor.u32 $0x1C02, s31;
	s12 =	sshrl.u32 s12, $0x3;
	s6 =	sadd.s32 $0x3400, s10  }
0xe: {  	s10 =	simm.s32 $0x2800;
	s16 =	sadd.s32 s17, s16;
	s17 =	simm.s32 $0x0  }
.LBB2_1:
0xf: {  	[tilespmem:s3], [sflag:$0x2] =	stream.linear.gather [hbm4b:s6+s3], $0x2800, $0x38;
	[tilespmem:$0x1D000] =	vst v63  }
0x10: {  	_ =	swait.ge [sflag:s9], $0x2800  }
0x11: {  	[sflag:s9] =	ssyncset.done $0x0  }
0x12: {  	[sflag:s9] =	ssyncadd.s32 $0xFFFFD800  }
0x13: {  	[tilespmem:s10], [sflag:$0x2] =	stream.linear.gather [hbm4b:s7+s3], $0x2800, $0x38;
	[tilespmem:$0x1D000] =	vst v63  }
0x14: {  	_ =	swait.ge [sflag:s9], $0x2800  }
0x15: {  	[sflag:s9] =	ssyncset.done $0x0  }
0x16: {  	[sflag:s9] =	ssyncadd.s32 $0xFFFFD800  }
0x17: {  	[spmem:s12], [sflag:s11] =	dma.local [hbm:s5], $0x2800  }
0x18: {  	_ =	swait.ge [sflag:s9], $0x2800  }
0x19: {  	[sflag:s9] =	ssyncset.done $0x0  }
0x1a: {  	[sflag:s9] =	ssyncadd.s32 $0xFFFFD800  }
0x1b: {  	s18 =	simm.s32 $0x0;
	[bflag:$0x0] =	sbarrier.arrive $0xFFFF  }
0x1c: {  	[tilespmem:s14], [sflag:$0x1] =	stream.indirect.gather [hbm4b:s4+s13], $0x80, s18, s13, $0xb8;
	[tilespmem:$0x1D000] =	vst v63  }
0x1d: {  	_ =	swait.ge [sflag:s15], $0x4000  }
0x1e: {  	[sflag:s15] =	ssyncset.done $0x0  }
0x1f: {  	s31 =	simm.s32 $0x2800;
	[sflag:s15] =	ssyncadd.s32 $0xFFFFC000  }
0x20: {  	[spmem:s2] =	stream.indirect.scatter.add.f32 [tilespmem:s14], [sflag:$0x2], $0x80, s31, s13, $0xb8;
	[tilespmem:$0x1D000] =	vst v63  }
0x21: {  	_ =	swait.ge [sflag:s9], $0x4000  }
0x22: {  	s19 =	simm.s32 $0x400;
	s18 =	simm.s32 $0x200;
	[sflag:s9] =	ssyncset.done $0x0  }
.LBB2_2:
0x23: {  	s20 =	sshra.s32 s18, $0x2  }
0x24: {  	[sflag:s9] =	ssyncadd.s32 $0xFFFFC000;
	s18 =	smov.u32 s19;
	s21 =	sadd.s32 $0x200, s19  }
0x25: {  	[tilespmem:s14], [sflag:$0x1] =	stream.indirect.gather [hbm4b:s4+s13], $0x80, s20, s13, $0xb8;
	[tilespmem:$0x1D000] =	vst v63  }
0x26: {  	p0 =	sne.s32 s19, $0x9E00;
	_ =	swait.ge [sflag:s15], $0x4000  }
.Ltmp0:
0x27: {  	[sflag:s15] =	ssyncset.done $0x0;
	(pc) =	sbr.rel @p0 .LBB2_2-.Ltmp0, $4  }
0x28: {  	s19 =	sadd.s32 $0x2800, s20;
	[sflag:s15] =	ssyncadd.s32 $0xFFFFC000  }
0x29: {  	[spmem:s2] =	stream.indirect.scatter.add.f32 [tilespmem:s14], [sflag:$0x2], $0x80, s19, s13, $0xb8;
	[tilespmem:$0x1D000] =	vst v63  }
0x2a: {  	_ =	swait.ge [sflag:s9], $0x4000  }
0x2b: {  	s19 =	smov.u32 s21;
	[sflag:s9] =	ssyncset.done $0x0  }
0x2c: {  	s18 =	sshra.s32 s18, $0x2;
	[sflag:s9] =	ssyncadd.s32 $0xFFFFC000  }
0x2d: {  	[tilespmem:s14], [sflag:$0x1] =	stream.indirect.gather [hbm4b:s4+s13], $0x80, s18, s13, $0xb8;
	[tilespmem:$0x1D000] =	vst v63  }
0x2e: {  	_ =	swait.ge [sflag:s15], $0x4000  }
0x2f: {  	[sflag:s15] =	ssyncset.done $0x0  }
0x30: {  	s18 =	sadd.s32 $0x2800, s18;
	[sflag:s15] =	ssyncadd.s32 $0xFFFFC000  }
0x31: {  	[spmem:s2] =	stream.indirect.scatter.add.f32 [tilespmem:s14], [sflag:$0x2], $0x80, s18, s13, $0xb8;
	[tilespmem:$0x1D000] =	vst v63  }
0x32: {  	_ =	swait.ge [sflag:s9], $0x4000  }
0x33: {  	s17 =	sadd.s32 $0x1, s17;
	[sflag:s9] =	ssyncset.done $0x0  }
0x34: {  	p0 =	sne.s32 s17, s8;
	[sflag:s9] =	ssyncadd.s32 $0xFFFFC000  }
.Ltmp1:
0x35: {  	[bflag:$0x0] =	sbarrier.arrive $0xFFFF;
	(pc) =	sbr.rel @p0 .LBB2_1-.Ltmp1, $4  }
0x36: {  	[hbm:s16], [sflag:s11] =	dma.local [spmem:s12], $0x2800  }
0x37: {  	_ =	swait.ge [sflag:s9], $0x2800  }
0x38: {  	[sflag:s9] =	ssyncset.done $0x0  }
0x39: {  	[sflag:s9] =	ssyncadd.s32 $0xFFFFD800  }
0x3a: {  	_ =	sfence.sel $0x180000  }
0x3b: {  	[bflag:$0x0] =	sbarrier.arrive $0xFFFF  }
0x3c: {  	p0 =	sne.s32 s0, $0x0;
	_ =	strace $0x9000004A  }
0x3d: {  	s0 =	sadd.s32 @!p0 $0x100000, s1;
	[bflag:$0x2] =	sbarrier.arrive $0xFFFF  }
0x3e: {  	[sflag:s0] =	ssyncadd.tile.s32 @!p0 $0x1;
	_ =	shalt  }
.Lfunc_end2:
_tile_overlayer_lowered:
.L_overlay_start_2:
0x3f: {  	(tag) =	ssettag $0x2  }
0x40: {  	s0 =	rddreg [dreg:$0x0];
	s2 =	stileid.u32  }
0x41: {  	s1 =	rddreg [dreg:$0x1];
	p0 =	sne.s32 s2, $0x0  }
0x42: {  	s3 =	rddreg [dreg:$0x2];
	[bflag:$0x3] =	sbarrier.arrive $0xFFFF;
	s2 =	simm.s32 @!p0 $0x1C02  }
0x43: {  	[timem:s3], [sflag:s2] =	dma.local @!p0 [hbm:s0], s1  }
0x44: {  	s0 =	simm.s32 @!p0 $0x2  }
0x45: {  	_ =	swait.ge @!p0 [sflag:s0], s1  }
0x46: {  	s1 =	ssub.s32 @!p0 $0x0, s1;
	[sflag:s0] =	ssyncset.done @!p0 $0x0  }
0x47: {  	[sflag:s0] =	ssyncadd.s32 @!p0 s1  }
0x48: {  	[bflag:$0x3] =	sbarrier.arrive $0xFFFF  }
0x49: {  	_ =	shalt  }

// kernel: kernel.16.cloned.1.call-start
scs
__scs_entry_jumppad:
0x0: {  	(pc) =	sbr.rel $0x88, $3  }
0x1: {  	(tag) =	ssettag $0x0;
	lr =	simm.s32 $0x1  }
0x2: {  	[smem:$0x3F99] =	sst lr;
	_ =	strace $0xD0000000  }
0x3: {  	_ = 	snop  }
0x4: {  	_ = 	snop  }
0x5: {  	_ = 	snop  }
0x6: {  	_ = 	snop  }
0x7: {  	_ = 	snop  }
__scs_overlays_trampoline_lowered:
0x8: {  	[smem:$0x3FA8] =	sst s0  }
0x9: {  	[smem:$0x3FA9] =	sst s1  }
0xa: {  	[smem:$0x3FAA] =	sst s2  }
0xb: {  	[smem:$0x3FAB] =	sst s3  }
0xc: {  	[smem:$0x3FAC] =	sst s4  }
0xd: {  	[smem:$0x3FAD] =	sst s5  }
0xe: {  	[smem:$0x3FAE] =	sst s6  }
0xf: {  	[smem:$0x3FAF] =	sst s7  }
0x10: {  	[smem:$0x3FB0] =	sst s8  }
0x11: {  	[smem:$0x3FB1] =	sst s9;
	s0 =	simm.s32 @!p0 $0x0  }
0x12: {  	s1 =	sld [smem:$0x3F97];
	s0 =	simm.s32 @p0 $0x1  }
0x13: {  	[smem:$0x3FB2] =	sst s0;
	s0 =	simm.s32 @!p1 $0x0  }
0x14: {  	s2 =	sld [smem:$0x3F96];
	s0 =	simm.s32 @p1 $0x1  }
0x15: {  	[smem:$0x3FB3] =	sst s0;
	s0 =	simm.s32 @!p2 $0x0  }
0x16: {  	s3 =	sld [smem:$0x3FDB];
	s0 =	simm.s32 @p2 $0x1  }
0x17: {  	s4 =	simm.s32 $0x1BF5;
	[smem:$0x3FB5] =	sst s0  }
0x18: {  	s0 =	sld [smem:$0x3F98];
	_ =	swait.ge [sflag:s4], $0x0  }
0x19: {  	s7 =	sld [smem:$0x3F99]  }
0x1a: {  	s8 =	sadd.s32 $0xFFFFE003, lr  }
0x1b: {  	s9 =	sadd.s32 $0xFFFFFEF7, lr;
	s5 =	simm.s32 $0xFFFFFFFF;
	p2 =	slt.u32 s8, $0xFFFFF086  }
0x1c: {  	p1 =	slt.u32 s9, $0xF7A;
	s5 =	simm.s32 @!p2 $0x0  }
0x1d: {  	s5 =	simm.s32 @p1 $0x1;
	p0 =	seq.s32 s7, s2  }
0x1e: {  	s7 =	smul.u32 @!p0 $0xF7A, s2;
	p2 =	seq.s32 @!p0 s5, $0x0  }
0x1f: {  	s9 =	smul.u32 $0xF7A, s1;
	s8 =	simm.s32 @!p0 $0x1BF5;
	p2 =	por !p2, p0  }
0x20: {  	[sflag:s8] =	ssyncset.s32 @!p0 $0xFFFFF086;
	s6 =	sadd.s32 @!p0 s3, s7;
	s7 =	simm.s32 @!p0 $0x108  }
0x21: {  	s3 =	sadd.s32 s3, s9;
	s6 =	sadd.s32 @!p0 $0x88, s6;
	s7 =	simm.s32 @p2 $0x1082  }
0x22: {  	[simem:s7], [sflag:s8] =	dma.local @!p0 [hbm:s6], $0xF7A  }
0x23: {  	s9 =	sor.u32 $0xD0000000, s2;
	s6 =	simm.s32 $0x108;
	_ =	swait.ge @!p0 [sflag:s8], $0x0  }
0x24: {  	s3 =	sadd.s32 $0x88, s3;
	s6 =	simm.s32 @!p1 $0x1082;
	[sflag:s4] =	ssyncset.s32 $0xFFFFF086  }
0x25: {  	[simem:s6], [sflag:s4] =	dma.local [hbm:s3], $0xF7A  }
0x26: {  	[smem:$0x3F99] =	sst s1;
	(tag) =	ssettag s2;
	_ =	strace s9  }
0x27: {  	s1 =	sld [smem:$0x3FA9]  }
0x28: {  	s2 =	sld [smem:$0x3FAA]  }
0x29: {  	s4 =	sld [smem:$0x3FAC]  }
0x2a: {  	p0 =	seq.s32 s5, $0x0;
	s5 =	sld [smem:$0x3FAD]  }
0x2b: {  	s6 =	sld [smem:$0x3FAE]  }
0x2c: {  	s7 =	sld [smem:$0x3FAF]  }
0x2d: {  	s3 =	simm.s32 $0x108;
	s8 =	sld [smem:$0x3FB0]  }
0x2e: {  	s3 =	simm.s32 @!p0 $0x1082;
	s9 =	sld [smem:$0x3FB1]  }
0x2f: {  	lr =	sadd.s32 s0, s3;
	s0 =	sld [smem:$0x3FA8]  }
0x30: {  	s3 =	sld [smem:$0x3FAB]  }
0x31: {  	[smem:$0x3FB4] =	sst s10  }
0x32: {  	s10 =	sld [smem:$0x3FB2];
	_ =	sdelay $0x3  }
0x33: {  	p0 =	seq.s32 s10, $0x1;
	s10 =	sld [smem:$0x3FB4];
	_ =	sdelay $0x3  }
0x34: {  	[smem:$0x3FB4] =	sst s10  }
0x35: {  	s10 =	sld [smem:$0x3FB3];
	_ =	sdelay $0x3  }
0x36: {  	p1 =	seq.s32 s10, $0x1;
	s10 =	sld [smem:$0x3FB4];
	_ =	sdelay $0x3  }
0x37: {  	[smem:$0x3FB4] =	sst s10  }
0x38: {  	s10 =	sld [smem:$0x3FB5]  }
0x39: {  	_ = 	snop;
	(pc) =	sbr.ind lr, $3  }
0x3a: {  	_ = 	snop  }
0x3b: {  	_ = 	snop  }
0x3c: {  	p2 =	seq.s32 s10, $0x1;
	s10 =	sld [smem:$0x3FB4]  }
0x3d: {  	_ =	shalt  }
0x3e: {  	_ =	shalt  }
0x3f: {  	_ =	shalt  }
0x40: {  	_ =	shalt  }
0x41: {  	_ =	shalt  }
0x42: {  	_ =	shalt  }
0x43: {  	_ =	shalt  }
0x44: {  	_ =	shalt  }
0x45: {  	_ =	shalt  }
0x46: {  	_ =	shalt  }
0x47: {  	_ =	shalt  }
0x48: {  	_ =	shalt  }
0x49: {  	_ =	shalt  }
0x4a: {  	_ =	shalt  }
0x4b: {  	_ =	shalt  }
0x4c: {  	_ =	shalt  }
0x4d: {  	_ =	shalt  }
0x4e: {  	_ =	shalt  }
0x4f: {  	_ =	shalt  }
0x50: {  	_ =	shalt  }
0x51: {  	_ =	shalt  }
0x52: {  	_ =	shalt  }
0x53: {  	_ =	shalt  }
0x54: {  	_ =	shalt  }
0x55: {  	_ =	shalt  }
0x56: {  	_ =	shalt  }
0x57: {  	_ =	shalt  }
0x58: {  	_ =	shalt  }
0x59: {  	_ =	shalt  }
0x5a: {  	_ =	shalt  }
0x5b: {  	_ =	shalt  }
0x5c: {  	_ =	shalt  }
0x5d: {  	_ =	shalt  }
0x5e: {  	_ =	shalt  }
0x5f: {  	_ =	shalt  }
0x60: {  	_ =	shalt  }
0x61: {  	_ =	shalt  }
0x62: {  	_ =	shalt  }
0x63: {  	_ =	shalt  }
0x64: {  	_ =	shalt  }
0x65: {  	_ =	shalt  }
0x66: {  	_ =	shalt  }
0x67: {  	_ =	shalt  }
0x68: {  	_ =	shalt  }
0x69: {  	_ =	shalt  }
0x6a: {  	_ =	shalt  }
0x6b: {  	_ =	shalt  }
0x6c: {  	_ =	shalt  }
0x6d: {  	_ =	shalt  }
0x6e: {  	_ =	shalt  }
0x6f: {  	_ =	shalt  }
0x70: {  	_ =	shalt  }
0x71: {  	_ =	shalt  }
0x72: {  	_ =	shalt  }
0x73: {  	_ =	shalt  }
0x74: {  	_ =	shalt  }
0x75: {  	_ =	shalt  }
0x76: {  	_ =	shalt  }
0x77: {  	_ =	shalt  }
0x78: {  	_ =	shalt  }
0x79: {  	_ =	shalt  }
0x7a: {  	_ =	shalt  }
0x7b: {  	_ =	shalt  }
0x7c: {  	_ =	shalt  }
0x7d: {  	_ =	shalt  }
0x7e: {  	_ =	shalt  }
0x7f: {  	_ =	shalt  }
0x80: {  	_ =	shalt  }
0x81: {  	_ =	shalt  }
0x82: {  	_ =	shalt  }
0x83: {  	_ =	shalt  }
0x84: {  	_ =	shalt  }
0x85: {  	_ =	shalt  }
0x86: {  	_ =	shalt  }
0x87: {  	_ =	shalt  }
.Lfunc_end0:
.L_simem_size_0:
called_computation.2_lowered:
.L_overlay_start_0:
0x88: {  	s2 =	sld [smem:$0x3FD9]  }
0x89: {  	s3 =	sld [smem:$0x3FFE];
	_ =	sdelay $0x1  }
0x8a: {  	s1 =	srdreg.scid  }
0x8b: {  	s0 =	sand.u32 $0x1, s1  }
0x8c: {  	s17 =	sshll.u32 s0, $0xA;
	s2 =	sadd.s32 s3, s2  }
0x8d: {  	s2 =	sadd.s32 s2, s17  }
0x8e: {  	[smem:$0x3FC0] =	sst s2  }
0x8f: {  	_ = 	snop  }
0x90: {  	s2 =	sld [smem:$0x3FD0];
	(tm) =	ssettm $0x1  }
0x91: {  	s18 =	sld [smem:$0x3FFB];
	_ =	sdelay $0x3  }
0x92: {  	_ =	strace s18  }
0x93: {  	s3 =	sld [smem:$0x3FFC];
	_ =	sdelay $0x3  }
0x94: {  	_ =	strace s3  }
0x95: {  	s3 =	sld [smem:$0x3FFD];
	_ =	sdelay $0x3  }
0x96: {  	_ =	strace s3  }
0x97: {  	_ =	strace $0x8FFFFFFF  }
0x98: {  	s19 =	sld [smem:$0x3FDB];
	_ =	sdelay $0x1  }
0x99: {  	s4 =	simm.s32 $_scs_section_size  }
0x9a: {  	s5 =	simm.s32 $_size__tile_overlayer_lowered;
	s6 =	simm.s32 $_tile_overlayer_lowered  }
0x9b: {  	s22 =	simm.s32 $0x1BFF;
	s21 =	sshll.u32 s6, $0x1;
	s3 =	sadd.s32 s4, s19  }
0x9c: {  	s7 =	simm.s32 $0x0;
	s20 =	sshll.u32 s5, $0x1;
	s5 =	sadd.s32 s21, s3  }
0x9d: {  	[timem:s7], [sflag:s22] =	dma.local [hbm:s5], s20  }
0x9e: {  	_ =	swait.ge [sflag:s22], s20  }
0x9f: {  	s4 =	ssub.s32 $0x0, s20;
	[sflag:s22] =	ssyncset.done $0x0  }
0xa0: {  	[sflag:s22] =	ssyncadd.s32 s4;
	_ =	sdelay $0x1  }
0xa1: {  	s23 =	simm.s32 $0x1B8B  }
0xa2: {  	_ =	swait.ge [sflag:s23], $0x1  }
0xa3: {  	[sflag:s23] =	ssyncset.done $0x0  }
0xa4: {  	s25 =	simm.s32 $0x1B8E;
	s24 =	sld [smem:$0x3FFE];
	[sflag:s23] =	ssyncadd.s32 $0xFFFFFFFF  }
0xa5: {  	s26 =	simm.s32 $execute0_lowered;
	[smem:$0x3FD2] =	sst s25  }
0xa6: {  	s5 =	sshll.u32 s26, $0x1;
	_ =	strace $0x8000004C;
	[dreg:$0x1] =	wrdreg $0xFFFFFFFF  }
0xa7: {  	s28 =	simm.s32 $_size_execute0_lowered;
	s3 =	sadd.s32 s3, s5;
	[dreg:$0x0] =	wrdreg $0x0  }
0xa8: {  	s5 =	sshll.u32 s28, $0x1;
	[dreg:$0x2] =	wrdreg s3  }
0xa9: {  	[dreg:$0x3] =	wrdreg s5  }
0xaa: {  	[dreg:$0x4] =	wrdreg $0xC0  }
0xab: {  	_ =	task [dreg:s7], $0x5FFFF  }
0xac: {  	[dreg:$0x1] =	wrdreg $0xFFFFFFFF  }
0xad: {  	[dreg:$0x0] =	wrdreg $0x60  }
0xae: {  	[dreg:$0x2] =	wrdreg s24  }
0xaf: {  	[dreg:$0x3] =	wrdreg s2  }
0xb0: {  	[dreg:$0x4] =	wrdreg $0x90000  }
0xb1: {  	[dreg:$0x5] =	wrdreg $0x9  }
0xb2: {  	_ =	task.clear_ibuf [dreg:s7], $0x6FFFF;
	_ =	strace $0x9000004C  }
0xb3: {  	s29 =	simm.s32 $0x9;
	_ =	strace $0x8000004E  }
0xb4: {  	_ =	swait.ge [sflag:s29], $0x1  }
0xb5: {  	[sflag:s29] =	ssyncadd.s32 $0xFFFFFFFF  }
0xb6: {  	_ =	strace $0x9000004E  }
0xb7: {  	_ =	sfence  }
0xb8: {  	s30 =	sld [smem:$0x0];
	_ =	sdelay $0x2  }
0xb9: {  	s31 =	sshll.u32 s1, $0xD;
	s1 =	sshrl.u32 s1, $0x2  }
0xba: {  	s3 =	sand.u32 $0x4000, s31;
	s1 =	sadd.s32 s1, s30  }
0xbb: {  	s0 =	sor.u32 s3, s0;
	s1 =	sshll.u32 s1, $0x11  }
0xbc: {  	s0 =	sor.u32 s1, s0  }
0xbd: {  	s0 =	sadd.s32 $0x8F2B, s0  }
0xbe: {  	[sflag:s0] =	ssyncadd.remote.s32 $0x1  }
0xbf: {  	_ =	sfence.sel $0xFFFF  }
0xc0: {  	[dreg:$0x0] =	wrdreg $0xFFFFFFFF;
	(pc) =	sbr.abs _section_cstart, $3  }
0xc1: {  	[dreg:$0x1] =	wrdreg $0xFFFFFFFF  }
0xc2: {  	_ =	task.clear_ibuf [dreg:s7], $0x2FFFF;
	_ =	strace $0x9FFFFFFF  }
0xc3: {  	(tm) =	ssettm $0x7FFFFFFF  }
tec
execute0_lowered:
.L_overlay_start_1:
0x0: {  	(tag) =	ssettag $0x1  }
0x1: {  	s6 =	rddreg [dreg:$0x0]  }
0x2: {  	s7 =	rddreg [dreg:$0x1];
	s1 =	srdreg.scid  }
0x3: {  	s0 =	stileid.u32;
	s2 =	rddreg [dreg:$0x2];
	s3 =	simm.s32 $0x0  }
0x4: {  	s13 =	simm.s32 $0x80;
	s14 =	simm.s32 $0x5000;
	s15 =	simm.s32 $0x1  }
0x5: {  	s5 =	sand.u32 $0x1, s1;
	s1 =	rddreg [dreg:$0x3];
	s12 =	smul.u32 $0x50000, s0  }
0x6: {  	s4 =	sshll.u32 s0, $0x1;
	[smem:$0x7FF] =	sst s3;
	s17 =	smul.u32 $0x2800, s0  }
0x7: {  	s31 =	sshll.u32 s0, $0x6;
	s4 =	sor.u32 s5, s4;
	_ =	strace $0x8000004D  }
0x8: {  	s9 =	smul.u32 $0x28000, s5;
	s11 =	ssub.s32 $0x2, s5;
	s5 =	sadd.s32 $0x71400, s6  }
0x9: {  	s8 =	smul.u32 $0x500, s4;
	s4 =	sadd.s32 $0x49400, s6;
	s29 =	sshrl.u32 s11, $0x1  }
0xa: {  	s30 =	sshrl.u32 s12, $0x2;
	s9 =	sadd.s32 s9, s6;
	s11 =	ssub.s32 s11, s29  }
0xb: {  	s12 =	sadd.s32 s30, s2;
	s10 =	sadd.s32 s8, s6;
	s7 =	sadd.s32 s7, s8  }
0xc: {  	s16 =	sadd.s32 $0x73C00, s9;
	s8 =	smax.u32 s11, $0x1;
	s9 =	simm.s32 $0x2  }
0xd: {  	s11 =	sor.u32 $0x1C02, s31;
	s12 =	sshrl.u32 s12, $0x3;
	s6 =	sadd.s32 $0x3400, s10  }
0xe: {  	s10 =	simm.s32 $0x2800;
	s16 =	sadd.s32 s17, s16;
	s17 =	simm.s32 $0x0  }
.LBB2_1:
0xf: {  	[tilespmem:s3], [sflag:$0x2] =	stream.linear.gather [hbm4b:s6+s3], $0x2800, $0x38;
	[tilespmem:$0x1D000] =	vst v63  }
0x10: {  	_ =	swait.ge [sflag:s9], $0x2800  }
0x11: {  	[sflag:s9] =	ssyncset.done $0x0  }
0x12: {  	[sflag:s9] =	ssyncadd.s32 $0xFFFFD800  }
0x13: {  	[tilespmem:s10], [sflag:$0x2] =	stream.linear.gather [hbm4b:s7+s3], $0x2800, $0x38;
	[tilespmem:$0x1D000] =	vst v63  }
0x14: {  	_ =	swait.ge [sflag:s9], $0x2800  }
0x15: {  	[sflag:s9] =	ssyncset.done $0x0  }
0x16: {  	[sflag:s9] =	ssyncadd.s32 $0xFFFFD800  }
0x17: {  	[spmem:s12], [sflag:s11] =	dma.local [hbm:s5], $0x2800  }
0x18: {  	_ =	swait.ge [sflag:s9], $0x2800  }
0x19: {  	[sflag:s9] =	ssyncset.done $0x0  }
0x1a: {  	[sflag:s9] =	ssyncadd.s32 $0xFFFFD800  }
0x1b: {  	s18 =	simm.s32 $0x0;
	[bflag:$0x0] =	sbarrier.arrive $0xFFFF  }
0x1c: {  	[tilespmem:s14], [sflag:$0x1] =	stream.indirect.gather [hbm4b:s4+s13], $0x80, s18, s13, $0xb8;
	[tilespmem:$0x1D000] =	vst v63  }
0x1d: {  	_ =	swait.ge [sflag:s15], $0x4000  }
0x1e: {  	[sflag:s15] =	ssyncset.done $0x0  }
0x1f: {  	s31 =	simm.s32 $0x2800;
	[sflag:s15] =	ssyncadd.s32 $0xFFFFC000  }
0x20: {  	[spmem:s2] =	stream.indirect.scatter.add.f32 [tilespmem:s14], [sflag:$0x2], $0x80, s31, s13, $0xb8;
	[tilespmem:$0x1D000] =	vst v63  }
0x21: {  	_ =	swait.ge [sflag:s9], $0x4000  }
0x22: {  	s19 =	simm.s32 $0x400;
	s18 =	simm.s32 $0x200;
	[sflag:s9] =	ssyncset.done $0x0  }
.LBB2_2:
0x23: {  	s20 =	sshra.s32 s18, $0x2  }
0x24: {  	[sflag:s9] =	ssyncadd.s32 $0xFFFFC000;
	s18 =	smov.u32 s19;
	s21 =	sadd.s32 $0x200, s19  }
0x25: {  	[tilespmem:s14], [sflag:$0x1] =	stream.indirect.gather [hbm4b:s4+s13], $0x80, s20, s13, $0xb8;
	[tilespmem:$0x1D000] =	vst v63  }
0x26: {  	p0 =	sne.s32 s19, $0x9E00;
	_ =	swait.ge [sflag:s15], $0x4000  }
.Ltmp0:
0x27: {  	[sflag:s15] =	ssyncset.done $0x0;
	(pc) =	sbr.rel @p0 .LBB2_2-.Ltmp0, $4  }
0x28: {  	s19 =	sadd.s32 $0x2800, s20;
	[sflag:s15] =	ssyncadd.s32 $0xFFFFC000  }
0x29: {  	[spmem:s2] =	stream.indirect.scatter.add.f32 [tilespmem:s14], [sflag:$0x2], $0x80, s19, s13, $0xb8;
	[tilespmem:$0x1D000] =	vst v63  }
0x2a: {  	_ =	swait.ge [sflag:s9], $0x4000  }
0x2b: {  	s19 =	smov.u32 s21;
	[sflag:s9] =	ssyncset.done $0x0  }
0x2c: {  	s18 =	sshra.s32 s18, $0x2;
	[sflag:s9] =	ssyncadd.s32 $0xFFFFC000  }
0x2d: {  	[tilespmem:s14], [sflag:$0x1] =	stream.indirect.gather [hbm4b:s4+s13], $0x80, s18, s13, $0xb8;
	[tilespmem:$0x1D000] =	vst v63  }
0x2e: {  	_ =	swait.ge [sflag:s15], $0x4000  }
0x2f: {  	[sflag:s15] =	ssyncset.done $0x0  }
0x30: {  	s18 =	sadd.s32 $0x2800, s18;
	[sflag:s15] =	ssyncadd.s32 $0xFFFFC000  }
0x31: {  	[spmem:s2] =	stream.indirect.scatter.add.f32 [tilespmem:s14], [sflag:$0x2], $0x80, s18, s13, $0xb8;
	[tilespmem:$0x1D000] =	vst v63  }
0x32: {  	_ =	swait.ge [sflag:s9], $0x4000  }
0x33: {  	s17 =	sadd.s32 $0x1, s17;
	[sflag:s9] =	ssyncset.done $0x0  }
0x34: {  	p0 =	sne.s32 s17, s8;
	[sflag:s9] =	ssyncadd.s32 $0xFFFFC000  }
.Ltmp1:
0x35: {  	[bflag:$0x0] =	sbarrier.arrive $0xFFFF;
	(pc) =	sbr.rel @p0 .LBB2_1-.Ltmp1, $4  }
0x36: {  	[hbm:s16], [sflag:s11] =	dma.local [spmem:s12], $0x2800  }
0x37: {  	_ =	swait.ge [sflag:s9], $0x2800  }
0x38: {  	[sflag:s9] =	ssyncset.done $0x0  }
0x39: {  	[sflag:s9] =	ssyncadd.s32 $0xFFFFD800  }
0x3a: {  	_ =	sfence.sel $0x180000  }
0x3b: {  	[bflag:$0x0] =	sbarrier.arrive $0xFFFF  }
0x3c: {  	p0 =	sne.s32 s0, $0x0;
	_ =	strace $0x9000004D  }
0x3d: {  	s0 =	sadd.s32 @!p0 $0x100000, s1;
	[bflag:$0x2] =	sbarrier.arrive $0xFFFF  }
0x3e: {  	[sflag:s0] =	ssyncadd.tile.s32 @!p0 $0x1;
	_ =	shalt  }
.Lfunc_end2:
_tile_overlayer_lowered:
.L_overlay_start_2:
0x3f: {  	(tag) =	ssettag $0x2  }
0x40: {  	s0 =	rddreg [dreg:$0x0];
	s2 =	stileid.u32  }
0x41: {  	s1 =	rddreg [dreg:$0x1];
	p0 =	sne.s32 s2, $0x0  }
0x42: {  	s3 =	rddreg [dreg:$0x2];
	[bflag:$0x3] =	sbarrier.arrive $0xFFFF;
	s2 =	simm.s32 @!p0 $0x1C02  }
0x43: {  	[timem:s3], [sflag:s2] =	dma.local @!p0 [hbm:s0], s1  }
0x44: {  	s0 =	simm.s32 @!p0 $0x2  }
0x45: {  	_ =	swait.ge @!p0 [sflag:s0], s1  }
0x46: {  	s1 =	ssub.s32 @!p0 $0x0, s1;
	[sflag:s0] =	ssyncset.done @!p0 $0x0  }
0x47: {  	[sflag:s0] =	ssyncadd.s32 @!p0 s1  }
0x48: {  	[bflag:$0x3] =	sbarrier.arrive $0xFFFF  }
0x49: {  	_ =	shalt  }

// kernel: kernel.19.cloned.1.call-start
scs
__scs_entry_jumppad:
0x0: {  	(pc) =	sbr.rel $0x88, $3  }
0x1: {  	(tag) =	ssettag $0x0;
	lr =	simm.s32 $0x1  }
0x2: {  	[smem:$0x3F99] =	sst lr;
	_ =	strace $0xD0000000  }
0x3: {  	_ = 	snop  }
0x4: {  	_ = 	snop  }
0x5: {  	_ = 	snop  }
0x6: {  	_ = 	snop  }
0x7: {  	_ = 	snop  }
__scs_overlays_trampoline_lowered:
0x8: {  	[smem:$0x3FA8] =	sst s0  }
0x9: {  	[smem:$0x3FA9] =	sst s1  }
0xa: {  	[smem:$0x3FAA] =	sst s2  }
0xb: {  	[smem:$0x3FAB] =	sst s3  }
0xc: {  	[smem:$0x3FAC] =	sst s4  }
0xd: {  	[smem:$0x3FAD] =	sst s5  }
0xe: {  	[smem:$0x3FAE] =	sst s6  }
0xf: {  	[smem:$0x3FAF] =	sst s7  }
0x10: {  	[smem:$0x3FB0] =	sst s8  }
0x11: {  	[smem:$0x3FB1] =	sst s9;
	s0 =	simm.s32 @!p0 $0x0  }
0x12: {  	s1 =	sld [smem:$0x3F97];
	s0 =	simm.s32 @p0 $0x1  }
0x13: {  	[smem:$0x3FB2] =	sst s0;
	s0 =	simm.s32 @!p1 $0x0  }
0x14: {  	s2 =	sld [smem:$0x3F96];
	s0 =	simm.s32 @p1 $0x1  }
0x15: {  	[smem:$0x3FB3] =	sst s0;
	s0 =	simm.s32 @!p2 $0x0  }
0x16: {  	s3 =	sld [smem:$0x3FDB];
	s0 =	simm.s32 @p2 $0x1  }
0x17: {  	s4 =	simm.s32 $0x1BF5;
	[smem:$0x3FB5] =	sst s0  }
0x18: {  	s0 =	sld [smem:$0x3F98];
	_ =	swait.ge [sflag:s4], $0x0  }
0x19: {  	s7 =	sld [smem:$0x3F99]  }
0x1a: {  	s8 =	sadd.s32 $0xFFFFE003, lr  }
0x1b: {  	s9 =	sadd.s32 $0xFFFFFEF7, lr;
	s5 =	simm.s32 $0xFFFFFFFF;
	p2 =	slt.u32 s8, $0xFFFFF086  }
0x1c: {  	p1 =	slt.u32 s9, $0xF7A;
	s5 =	simm.s32 @!p2 $0x0  }
0x1d: {  	s5 =	simm.s32 @p1 $0x1;
	p0 =	seq.s32 s7, s2  }
0x1e: {  	s7 =	smul.u32 @!p0 $0xF7A, s2;
	p2 =	seq.s32 @!p0 s5, $0x0  }
0x1f: {  	s9 =	smul.u32 $0xF7A, s1;
	s8 =	simm.s32 @!p0 $0x1BF5;
	p2 =	por !p2, p0  }
0x20: {  	[sflag:s8] =	ssyncset.s32 @!p0 $0xFFFFF086;
	s6 =	sadd.s32 @!p0 s3, s7;
	s7 =	simm.s32 @!p0 $0x108  }
0x21: {  	s3 =	sadd.s32 s3, s9;
	s6 =	sadd.s32 @!p0 $0x88, s6;
	s7 =	simm.s32 @p2 $0x1082  }
0x22: {  	[simem:s7], [sflag:s8] =	dma.local @!p0 [hbm:s6], $0xF7A  }
0x23: {  	s9 =	sor.u32 $0xD0000000, s2;
	s6 =	simm.s32 $0x108;
	_ =	swait.ge @!p0 [sflag:s8], $0x0  }
0x24: {  	s3 =	sadd.s32 $0x88, s3;
	s6 =	simm.s32 @!p1 $0x1082;
	[sflag:s4] =	ssyncset.s32 $0xFFFFF086  }
0x25: {  	[simem:s6], [sflag:s4] =	dma.local [hbm:s3], $0xF7A  }
0x26: {  	[smem:$0x3F99] =	sst s1;
	(tag) =	ssettag s2;
	_ =	strace s9  }
0x27: {  	s1 =	sld [smem:$0x3FA9]  }
0x28: {  	s2 =	sld [smem:$0x3FAA]  }
0x29: {  	s4 =	sld [smem:$0x3FAC]  }
0x2a: {  	p0 =	seq.s32 s5, $0x0;
	s5 =	sld [smem:$0x3FAD]  }
0x2b: {  	s6 =	sld [smem:$0x3FAE]  }
0x2c: {  	s7 =	sld [smem:$0x3FAF]  }
0x2d: {  	s3 =	simm.s32 $0x108;
	s8 =	sld [smem:$0x3FB0]  }
0x2e: {  	s3 =	simm.s32 @!p0 $0x1082;
	s9 =	sld [smem:$0x3FB1]  }
0x2f: {  	lr =	sadd.s32 s0, s3;
	s0 =	sld [smem:$0x3FA8]  }
0x30: {  	s3 =	sld [smem:$0x3FAB]  }
0x31: {  	[smem:$0x3FB4] =	sst s10  }
0x32: {  	s10 =	sld [smem:$0x3FB2];
	_ =	sdelay $0x3  }
0x33: {  	p0 =	seq.s32 s10, $0x1;
	s10 =	sld [smem:$0x3FB4];
	_ =	sdelay $0x3  }
0x34: {  	[smem:$0x3FB4] =	sst s10  }
0x35: {  	s10 =	sld [smem:$0x3FB3];
	_ =	sdelay $0x3  }
0x36: {  	p1 =	seq.s32 s10, $0x1;
	s10 =	sld [smem:$0x3FB4];
	_ =	sdelay $0x3  }
0x37: {  	[smem:$0x3FB4] =	sst s10  }
0x38: {  	s10 =	sld [smem:$0x3FB5]  }
0x39: {  	_ = 	snop;
	(pc) =	sbr.ind lr, $3  }
0x3a: {  	_ = 	snop  }
0x3b: {  	_ = 	snop  }
0x3c: {  	p2 =	seq.s32 s10, $0x1;
	s10 =	sld [smem:$0x3FB4]  }
0x3d: {  	_ =	shalt  }
0x3e: {  	_ =	shalt  }
0x3f: {  	_ =	shalt  }
0x40: {  	_ =	shalt  }
0x41: {  	_ =	shalt  }
0x42: {  	_ =	shalt  }
0x43: {  	_ =	shalt  }
0x44: {  	_ =	shalt  }
0x45: {  	_ =	shalt  }
0x46: {  	_ =	shalt  }
0x47: {  	_ =	shalt  }
0x48: {  	_ =	shalt  }
0x49: {  	_ =	shalt  }
0x4a: {  	_ =	shalt  }
0x4b: {  	_ =	shalt  }
0x4c: {  	_ =	shalt  }
0x4d: {  	_ =	shalt  }
0x4e: {  	_ =	shalt  }
0x4f: {  	_ =	shalt  }
0x50: {  	_ =	shalt  }
0x51: {  	_ =	shalt  }
0x52: {  	_ =	shalt  }
0x53: {  	_ =	shalt  }
0x54: {  	_ =	shalt  }
0x55: {  	_ =	shalt  }
0x56: {  	_ =	shalt  }
0x57: {  	_ =	shalt  }
0x58: {  	_ =	shalt  }
0x59: {  	_ =	shalt  }
0x5a: {  	_ =	shalt  }
0x5b: {  	_ =	shalt  }
0x5c: {  	_ =	shalt  }
0x5d: {  	_ =	shalt  }
0x5e: {  	_ =	shalt  }
0x5f: {  	_ =	shalt  }
0x60: {  	_ =	shalt  }
0x61: {  	_ =	shalt  }
0x62: {  	_ =	shalt  }
0x63: {  	_ =	shalt  }
0x64: {  	_ =	shalt  }
0x65: {  	_ =	shalt  }
0x66: {  	_ =	shalt  }
0x67: {  	_ =	shalt  }
0x68: {  	_ =	shalt  }
0x69: {  	_ =	shalt  }
0x6a: {  	_ =	shalt  }
0x6b: {  	_ =	shalt  }
0x6c: {  	_ =	shalt  }
0x6d: {  	_ =	shalt  }
0x6e: {  	_ =	shalt  }
0x6f: {  	_ =	shalt  }
0x70: {  	_ =	shalt  }
0x71: {  	_ =	shalt  }
0x72: {  	_ =	shalt  }
0x73: {  	_ =	shalt  }
0x74: {  	_ =	shalt  }
0x75: {  	_ =	shalt  }
0x76: {  	_ =	shalt  }
0x77: {  	_ =	shalt  }
0x78: {  	_ =	shalt  }
0x79: {  	_ =	shalt  }
0x7a: {  	_ =	shalt  }
0x7b: {  	_ =	shalt  }
0x7c: {  	_ =	shalt  }
0x7d: {  	_ =	shalt  }
0x7e: {  	_ =	shalt  }
0x7f: {  	_ =	shalt  }
0x80: {  	_ =	shalt  }
0x81: {  	_ =	shalt  }
0x82: {  	_ =	shalt  }
0x83: {  	_ =	shalt  }
0x84: {  	_ =	shalt  }
0x85: {  	_ =	shalt  }
0x86: {  	_ =	shalt  }
0x87: {  	_ =	shalt  }
.Lfunc_end0:
.L_simem_size_0:
called_computation.3_lowered:
.L_overlay_start_0:
0x88: {  	s2 =	sld [smem:$0x3FD9]  }
0x89: {  	s3 =	sld [smem:$0x3FFE];
	_ =	sdelay $0x1  }
0x8a: {  	s1 =	srdreg.scid  }
0x8b: {  	s0 =	sand.u32 $0x1, s1  }
0x8c: {  	s17 =	sshll.u32 s0, $0xA;
	s2 =	sadd.s32 s3, s2  }
0x8d: {  	s2 =	sadd.s32 s2, s17  }
0x8e: {  	[smem:$0x3FC0] =	sst s2  }
0x8f: {  	_ = 	snop  }
0x90: {  	s2 =	sld [smem:$0x3FD0];
	(tm) =	ssettm $0x1  }
0x91: {  	s18 =	sld [smem:$0x3FFB];
	_ =	sdelay $0x3  }
0x92: {  	_ =	strace s18  }
0x93: {  	s3 =	sld [smem:$0x3FFC];
	_ =	sdelay $0x3  }
0x94: {  	_ =	strace s3  }
0x95: {  	s3 =	sld [smem:$0x3FFD];
	_ =	sdelay $0x3  }
0x96: {  	_ =	strace s3  }
0x97: {  	_ =	strace $0x8FFFFFFF  }
0x98: {  	s19 =	sld [smem:$0x3FDB];
	_ =	sdelay $0x1  }
0x99: {  	s4 =	simm.s32 $_scs_section_size  }
0x9a: {  	s5 =	simm.s32 $_size__tile_overlayer_lowered;
	s6 =	simm.s32 $_tile_overlayer_lowered  }
0x9b: {  	s22 =	simm.s32 $0x1BFF;
	s21 =	sshll.u32 s6, $0x1;
	s3 =	sadd.s32 s4, s19  }
0x9c: {  	s7 =	simm.s32 $0x0;
	s20 =	sshll.u32 s5, $0x1;
	s5 =	sadd.s32 s21, s3  }
0x9d: {  	[timem:s7], [sflag:s22] =	dma.local [hbm:s5], s20  }
0x9e: {  	_ =	swait.ge [sflag:s22], s20  }
0x9f: {  	s4 =	ssub.s32 $0x0, s20;
	[sflag:s22] =	ssyncset.done $0x0  }
0xa0: {  	[sflag:s22] =	ssyncadd.s32 s4;
	_ =	sdelay $0x1  }
0xa1: {  	s23 =	simm.s32 $0x1B8B  }
0xa2: {  	_ =	swait.ge [sflag:s23], $0x1  }
0xa3: {  	[sflag:s23] =	ssyncset.done $0x0  }
0xa4: {  	s25 =	simm.s32 $0x1B8E;
	s24 =	sld [smem:$0x3FFE];
	[sflag:s23] =	ssyncadd.s32 $0xFFFFFFFF  }
0xa5: {  	s26 =	simm.s32 $execute0_lowered;
	[smem:$0x3FD2] =	sst s25  }
0xa6: {  	s5 =	sshll.u32 s26, $0x1;
	_ =	strace $0x8000004F;
	[dreg:$0x1] =	wrdreg $0xFFFFFFFF  }
0xa7: {  	s28 =	simm.s32 $_size_execute0_lowered;
	s3 =	sadd.s32 s3, s5;
	[dreg:$0x0] =	wrdreg $0x0  }
0xa8: {  	s5 =	sshll.u32 s28, $0x1;
	[dreg:$0x2] =	wrdreg s3  }
0xa9: {  	[dreg:$0x3] =	wrdreg s5  }
0xaa: {  	[dreg:$0x4] =	wrdreg $0xC0  }
0xab: {  	_ =	task [dreg:s7], $0x5FFFF  }
0xac: {  	[dreg:$0x1] =	wrdreg $0xFFFFFFFF  }
0xad: {  	[dreg:$0x0] =	wrdreg $0x60  }
0xae: {  	[dreg:$0x2] =	wrdreg s24  }
0xaf: {  	[dreg:$0x3] =	wrdreg s2  }
0xb0: {  	[dreg:$0x4] =	wrdreg $0x70000  }
0xb1: {  	[dreg:$0x5] =	wrdreg $0x9  }
0xb2: {  	_ =	task.clear_ibuf [dreg:s7], $0x6FFFF;
	_ =	strace $0x9000004F  }
0xb3: {  	s29 =	simm.s32 $0x9;
	_ =	strace $0x80000051  }
0xb4: {  	_ =	swait.ge [sflag:s29], $0x1  }
0xb5: {  	[sflag:s29] =	ssyncadd.s32 $0xFFFFFFFF  }
0xb6: {  	_ =	strace $0x90000051  }
0xb7: {  	_ =	sfence  }
0xb8: {  	s30 =	sld [smem:$0x0];
	_ =	sdelay $0x2  }
0xb9: {  	s31 =	sshll.u32 s1, $0xD;
	s1 =	sshrl.u32 s1, $0x2  }
0xba: {  	s3 =	sand.u32 $0x4000, s31;
	s1 =	sadd.s32 s1, s30  }
0xbb: {  	s0 =	sor.u32 s3, s0;
	s1 =	sshll.u32 s1, $0x11  }
0xbc: {  	s0 =	sor.u32 s1, s0  }
0xbd: {  	s0 =	sadd.s32 $0x8F2B, s0  }
0xbe: {  	[sflag:s0] =	ssyncadd.remote.s32 $0x1  }
0xbf: {  	_ =	sfence.sel $0xFFFF  }
0xc0: {  	[dreg:$0x0] =	wrdreg $0xFFFFFFFF;
	(pc) =	sbr.abs _section_cstart, $3  }
0xc1: {  	[dreg:$0x1] =	wrdreg $0xFFFFFFFF  }
0xc2: {  	_ =	task.clear_ibuf [dreg:s7], $0x2FFFF;
	_ =	strace $0x9FFFFFFF  }
0xc3: {  	(tm) =	ssettm $0x7FFFFFFF  }
tec
execute0_lowered:
.L_overlay_start_1:
0x0: {  	(tag) =	ssettag $0x1  }
0x1: {  	s6 =	rddreg [dreg:$0x0]  }
0x2: {  	s2 =	rddreg [dreg:$0x1]  }
0x3: {  	s3 =	rddreg [dreg:$0x2]  }
0x4: {  	s0 =	rddreg [dreg:$0x3]  }
0x5: {  	s5 =	srdreg.scid;
	s1 =	stileid.u32;
	s4 =	simm.s32 $0x0  }
0x6: {  	s13 =	simm.s32 $0x80;
	s14 =	simm.s32 $0x5000;
	s15 =	simm.s32 $0x1  }
0x7: {  	s7 =	sand.u32 $0x1, s5;
	s30 =	sshll.u32 s1, $0x1;
	[smem:$0x7FF] =	sst s4  }
0x8: {  	s11 =	smul.u32 $0xA000, s1;
	s31 =	sshll.u32 s1, $0x6;
	s5 =	sor.u32 s7, s30  }
0x9: {  	_ =	strace $0x80000050;
	s9 =	smul.u32 $0x14000, s7;
	s7 =	ssub.s32 $0x2, s7  }
0xa: {  	s8 =	smul.u32 $0x500, s5;
	s5 =	sadd.s32 $0x21400, s6;
	s10 =	sshrl.u32 s7, $0x1  }
0xb: {  	s12 =	sadd.s32 s11, s3;
	s17 =	sshrl.u32 s11, $0x3;
	s11 =	sor.u32 $0x1C02, s31  }
0xc: {  	s9 =	sadd.s32 s9, s6;
	s10 =	ssub.s32 s7, s10;
	s12 =	sshrl.u32 s12, $0x3  }
0xd: {  	s8 =	sadd.s32 s8, s6;
	s16 =	sadd.s32 $0x35400, s9;
	s9 =	simm.s32 $0x2  }
0xe: {  	s6 =	sadd.s32 $0x17400, s8;
	s7 =	sadd.s32 $0xD400, s8;
	s8 =	smax.u32 s10, $0x1  }
0xf: {  	s10 =	simm.s32 $0x2800;
	s16 =	sadd.s32 s17, s16;
	s17 =	simm.s32 $0x0  }
.LBB2_1:
0x10: {  	[tilespmem:s4], [sflag:$0x2] =	stream.linear.gather [hbm4b:s6+s4], $0x2800, $0x38;
	[tilespmem:$0x11000] =	vst v63  }
0x11: {  	_ =	swait.ge [sflag:s9], $0x2800  }
0x12: {  	[sflag:s9] =	ssyncset.done $0x0  }
0x13: {  	[sflag:s9] =	ssyncadd.s32 $0xFFFFD800  }
0x14: {  	[tilespmem:s10], [sflag:$0x2] =	stream.linear.gather [hbm4b:s7+s4], $0x2800, $0x38;
	[tilespmem:$0x11000] =	vst v63  }
0x15: {  	_ =	swait.ge [sflag:s9], $0x2800  }
0x16: {  	[sflag:s9] =	ssyncset.done $0x0  }
0x17: {  	[sflag:s9] =	ssyncadd.s32 $0xFFFFD800  }
0x18: {  	[spmem:s12], [sflag:s11] =	dma.local [hbm:s2], $0x1400  }
0x19: {  	_ =	swait.ge [sflag:s9], $0x1400  }
0x1a: {  	[sflag:s9] =	ssyncset.done $0x0  }
0x1b: {  	[sflag:s9] =	ssyncadd.s32 $0xFFFFEC00  }
0x1c: {  	s18 =	simm.s32 $0x0;
	[bflag:$0x0] =	sbarrier.arrive $0xFFFF  }
0x1d: {  	[tilespmem:s14], [sflag:$0x1] =	stream.indirect.gather [hbm4b:s5+s13], $0x40, s18, s13, $0xb8;
	[tilespmem:$0x11000] =	vst v63  }
0x1e: {  	_ =	swait.ge [sflag:s15], $0x2000  }
0x1f: {  	[sflag:s15] =	ssyncset.done $0x0  }
0x20: {  	s31 =	simm.s32 $0x2800;
	[sflag:s15] =	ssyncadd.s32 $0xFFFFE000  }
0x21: {  	[spmem:s3] =	stream.indirect.scatter.add.f32 [tilespmem:s14], [sflag:$0x2], $0x40, s31, s13, $0xb8;
	[tilespmem:$0x11000] =	vst v63  }
0x22: {  	_ =	swait.ge [sflag:s9], $0x2000  }
0x23: {  	s19 =	simm.s32 $0x400;
	s18 =	simm.s32 $0x200;
	[sflag:s9] =	ssyncset.done $0x0  }
.LBB2_2:
0x24: {  	s20 =	sshra.s32 s18, $0x2  }
0x25: {  	[sflag:s9] =	ssyncadd.s32 $0xFFFFE000;
	s18 =	smov.u32 s19;
	s21 =	sadd.s32 $0x200, s19  }
0x26: {  	[tilespmem:s14], [sflag:$0x1] =	stream.indirect.gather [hbm4b:s5+s13], $0x40, s20, s13, $0xb8;
	[tilespmem:$0x11000] =	vst v63  }
0x27: {  	p0 =	sne.s32 s19, $0x9E00;
	_ =	swait.ge [sflag:s15], $0x2000  }
.Ltmp0:
0x28: {  	[sflag:s15] =	ssyncset.done $0x0;
	(pc) =	sbr.rel @p0 .LBB2_2-.Ltmp0, $4  }
0x29: {  	s19 =	sadd.s32 $0x2800, s20;
	[sflag:s15] =	ssyncadd.s32 $0xFFFFE000  }
0x2a: {  	[spmem:s3] =	stream.indirect.scatter.add.f32 [tilespmem:s14], [sflag:$0x2], $0x40, s19, s13, $0xb8;
	[tilespmem:$0x11000] =	vst v63  }
0x2b: {  	_ =	swait.ge [sflag:s9], $0x2000  }
0x2c: {  	s19 =	smov.u32 s21;
	[sflag:s9] =	ssyncset.done $0x0  }
0x2d: {  	s18 =	sshra.s32 s18, $0x2;
	[sflag:s9] =	ssyncadd.s32 $0xFFFFE000  }
0x2e: {  	[tilespmem:s14], [sflag:$0x1] =	stream.indirect.gather [hbm4b:s5+s13], $0x40, s18, s13, $0xb8;
	[tilespmem:$0x11000] =	vst v63  }
0x2f: {  	_ =	swait.ge [sflag:s15], $0x2000  }
0x30: {  	[sflag:s15] =	ssyncset.done $0x0  }
0x31: {  	s18 =	sadd.s32 $0x2800, s18;
	[sflag:s15] =	ssyncadd.s32 $0xFFFFE000  }
0x32: {  	[spmem:s3] =	stream.indirect.scatter.add.f32 [tilespmem:s14], [sflag:$0x2], $0x40, s18, s13, $0xb8;
	[tilespmem:$0x11000] =	vst v63  }
0x33: {  	_ =	swait.ge [sflag:s9], $0x2000  }
0x34: {  	s17 =	sadd.s32 $0x1, s17;
	[sflag:s9] =	ssyncset.done $0x0  }
0x35: {  	p0 =	sne.s32 s17, s8;
	[sflag:s9] =	ssyncadd.s32 $0xFFFFE000  }
.Ltmp1:
0x36: {  	[bflag:$0x0] =	sbarrier.arrive $0xFFFF;
	(pc) =	sbr.rel @p0 .LBB2_1-.Ltmp1, $4  }
0x37: {  	[hbm:s16], [sflag:s11] =	dma.local [spmem:s12], $0x1400  }
0x38: {  	_ =	swait.ge [sflag:s9], $0x1400  }
0x39: {  	[sflag:s9] =	ssyncset.done $0x0  }
0x3a: {  	[sflag:s9] =	ssyncadd.s32 $0xFFFFEC00  }
0x3b: {  	_ =	sfence.sel $0x180000  }
0x3c: {  	[bflag:$0x0] =	sbarrier.arrive $0xFFFF  }
0x3d: {  	p0 =	sne.s32 s1, $0x0;
	_ =	strace $0x90000050  }
0x3e: {  	s0 =	sadd.s32 @!p0 $0x100000, s0;
	[bflag:$0x2] =	sbarrier.arrive $0xFFFF  }
0x3f: {  	[sflag:s0] =	ssyncadd.tile.s32 @!p0 $0x1;
	_ =	shalt  }
.Lfunc_end2:
_tile_overlayer_lowered:
.L_overlay_start_2:
0x40: {  	(tag) =	ssettag $0x2  }
0x41: {  	s0 =	rddreg [dreg:$0x0];
	s2 =	stileid.u32  }
0x42: {  	s1 =	rddreg [dreg:$0x1];
	p0 =	sne.s32 s2, $0x0  }
0x43: {  	s3 =	rddreg [dreg:$0x2];
	[bflag:$0x3] =	sbarrier.arrive $0xFFFF;
	s2 =	simm.s32 @!p0 $0x1C02  }
0x44: {  	[timem:s3], [sflag:s2] =	dma.local @!p0 [hbm:s0], s1  }
0x45: {  	s0 =	simm.s32 @!p0 $0x2  }
0x46: {  	_ =	swait.ge @!p0 [sflag:s0], s1  }
0x47: {  	s1 =	ssub.s32 @!p0 $0x0, s1;
	[sflag:s0] =	ssyncset.done @!p0 $0x0  }
0x48: {  	[sflag:s0] =	ssyncadd.s32 @!p0 s1  }
0x49: {  	[bflag:$0x3] =	sbarrier.arrive $0xFFFF  }
0x4a: {  	_ =	shalt  }

</sc_bundles>
